<compile_context>
chip_gen: v7x
topology: tpu7x:2x2x1
jax: 0.10.2.dev20260603
libtpu: 0.0.44.dev20260713+nightly
codegen_flags: <defaults>
</compile_context>

<pallas_src>
import functools

import jax
import jax.numpy as jnp
from jax import lax
from jax.experimental import pallas as pl
from jax.experimental.pallas import tpu as pltpu
from jax.experimental.pallas import tpu_sc as plsc




def _node_msg_body(x_ref, w1_ref, b1_ref, w2_ref, b2_ref, o_ref):
    x = x_ref[...]
    nrm2 = jnp.sum(x * x, axis=1, keepdims=True)
    nrm = jnp.maximum(jnp.sqrt(nrm2), 1e-15)
    s = jnp.minimum(nrm, 1.0 - 1e-7)
    atanh_s = 0.5 * jnp.log((1.0 + s) / (1.0 - s))
    t = x * (atanh_s / nrm)
    h = jnp.maximum(
        jnp.dot(t, w1_ref[...], preferred_element_type=jnp.float32) + b1_ref[...], 0.0
    )
    o_ref[...] = (
        jnp.dot(h, w2_ref[...], preferred_element_type=jnp.float32) + b2_ref[...]
    )


def _node_messages(x_pad, W1, b1, W2, b2, blk):
    np_, d = x_pad.shape
    grid = (np_ // blk,)
    return pl.pallas_call(
        _node_msg_body,
        grid=grid,
        in_specs=[
            pl.BlockSpec((blk, d), lambda i: (i, 0)),
            pl.BlockSpec((d, d), lambda i: (0, 0)),
            pl.BlockSpec((1, d), lambda i: (0, 0)),
            pl.BlockSpec((d, d), lambda i: (0, 0)),
            pl.BlockSpec((1, d), lambda i: (0, 0)),
        ],
        out_specs=pl.BlockSpec((blk, d), lambda i: (i, 0)),
        out_shape=jax.ShapeDtypeStruct((np_, d), jnp.float32),
    )(x_pad, W1, b1.reshape(1, d), W2, b2.reshape(1, d))


def _update_body(acc_ref, cnt_ref, u1_ref, ub1_ref, u2_ref, ub2_ref, o_ref, *, blk):
    acc = acc_ref[...]
    s = acc[0] + acc[1]
    cnt = cnt_ref[...]
    c = jnp.sum(cnt, axis=0)
    inv = 1.0 / (c + 1e-08)
    mean = (s.reshape(blk // 128, 128, 128) * inv[:, :, None]).reshape(blk, 128)
    h = jnp.maximum(
        jnp.dot(mean, u1_ref[...], preferred_element_type=jnp.float32) + ub1_ref[...],
        0.0,
    )
    o = jnp.dot(h, u2_ref[...], preferred_element_type=jnp.float32) + ub2_ref[...]
    nrm = jnp.maximum(jnp.sqrt(jnp.sum(o * o, axis=1, keepdims=True)), 1e-15)
    o_ref[...] = o * (jnp.tanh(nrm) / nrm)


def _update(acc, cnt2, U1, ub1, U2, ub2, blk):
    _, np_, d = acc.shape
    nw = cnt2.shape[0]
    grid = (np_ // blk,)
    return pl.pallas_call(
        functools.partial(_update_body, blk=blk),
        grid=grid,
        in_specs=[
            pl.BlockSpec((2, blk, d), lambda i: (0, i, 0)),
            pl.BlockSpec((nw, blk // 128, 128), lambda i: (0, i, 0)),
            pl.BlockSpec((d, d), lambda i: (0, 0)),
            pl.BlockSpec((1, d), lambda i: (0, 0)),
            pl.BlockSpec((d, d), lambda i: (0, 0)),
            pl.BlockSpec((1, d), lambda i: (0, 0)),
        ],
        out_specs=pl.BlockSpec((blk, d), lambda i: (i, 0)),
        out_shape=jax.ShapeDtypeStruct((np_, d), jnp.float32),
    )(acc, cnt2, U1, ub1.reshape(1, d), U2, ub2.reshape(1, d))


def _make_sc_scatter(np_, d, nw, nc, ns, ch, b):
    rows_per_tile = np_ // ns

    mesh = plsc.VectorSubcoreMesh(core_axis_name="c", subcore_axis_name="s")

    @functools.partial(
        pl.kernel,
        mesh=mesh,
        out_type=[
            jax.ShapeDtypeStruct((nc, np_, d), jnp.float32),
            jax.ShapeDtypeStruct((nc, np_), jnp.float32),
        ],
        scratch_types=[
            pltpu.VMEM((ch, b), jnp.int32),
            pltpu.VMEM((ch, b), jnp.int32),
            pltpu.VMEM((b, d), jnp.float32),
            pltpu.VMEM((b,), jnp.float32),
            pltpu.VMEM_SHARED((np_, d), jnp.float32),
            pltpu.VMEM_SHARED((np_,), jnp.float32),
            pltpu.SemaphoreType.DMA,
            pltpu.SemaphoreType.DMA,
        ],
    )
    def sc_kernel(
        m_hbm,
        row_hbm,
        col_hbm,
        acc_hbm,
        cnt_hbm,
        row_v,
        col_v,
        rows_v,
        ones_v,
        acc_sh,
        cnt_sh,
        gsem,
        csem,
    ):
        cid = lax.axis_index("c")
        sid = lax.axis_index("s")
        wid = sid * nc + cid

        def _fill(i, _):
            for j in range(d // 16):
                rows_v[i, pl.ds(j * 16, 16)] = jnp.zeros((16,), jnp.float32)
            return 0

        lax.fori_loop(0, b, _fill, 0)
        for j in range(b // 16):
            ones_v[pl.ds(j * 16, 16)] = jnp.ones((16,), jnp.float32)

        base = sid * rows_per_tile
        for k in range(rows_per_tile // b):
            pltpu.sync_copy(rows_v, acc_sh.at[pl.ds(base + k * b, b)])
        for k in range(rows_per_tile // d):
            pltpu.sync_copy(rows_v.at[0], cnt_sh.at[pl.ds(base + k * d, d)])
        plsc.subcore_barrier()

        pltpu.sync_copy(row_hbm.at[wid], row_v)
        pltpu.sync_copy(col_hbm.at[wid], col_v)

        def _chunk(c, _):
            pltpu.async_copy(m_hbm.at[col_v.at[c]], rows_v, gsem).wait()
            pltpu.async_copy(ones_v, cnt_sh.at[row_v.at[c]], csem, add=True)
            pltpu.sync_copy(rows_v, acc_sh.at[row_v.at[c]], add=True)
            return 0

        lax.fori_loop(0, ch, _chunk, 0)
        pltpu.make_async_copy(row_hbm.at[wid], row_v, csem).wait()
        plsc.subcore_barrier()

        pltpu.sync_copy(
            acc_sh.at[pl.ds(base, rows_per_tile)],
            acc_hbm.at[cid, pl.ds(base, rows_per_tile)],
        )
        pltpu.sync_copy(
            cnt_sh.at[pl.ds(base, rows_per_tile)],
            cnt_hbm.at[cid, pl.ds(base, rows_per_tile)],
        )

    return sc_kernel


def kernel(x, edge_index, W1, b1, W2, b2, U1, ub1, U2, ub2):
    n, d = x.shape
    e = edge_index.shape[1]

    info = plsc.get_sparse_core_info()
    nc, ns = info.num_cores, info.num_subcores
    nw = nc * ns
    b = 128
    quantum = nw * b
    ep = ((e + quantum - 1) // quantum) * quantum
    ch = ep // (nw * b)

    blk = 1024
    np_ = ((n + blk - 1) // blk) * blk

    x_pad = jnp.pad(x, ((0, np_ - n), (0, 0)))
    m = _node_messages(x_pad, W1, b1, W2, b2, blk)

    row = edge_index[0]
    col = edge_index[1]
    pad_e = ep - e
    row_p = jnp.concatenate([row, jnp.full((pad_e,), n, jnp.int32)]).reshape(nw, ch, b)
    col_p = jnp.concatenate([col, jnp.zeros((pad_e,), jnp.int32)]).reshape(nw, ch, b)

    acc, cnt = _make_sc_scatter(np_, d, nw, nc, ns, ch, b)(m, row_p, col_p)

    cnt2 = cnt.reshape(nc, np_ // 128, 128)
    out = _update(acc, cnt2, U1, ub1, U2, ub2, blk)
    return out[:n]

# --- scband reference (transcript-rebuilt; emitter-appended) ---
"""Pipeline reference for scband-hyperbolic-message-passing-84782654423058 (READ-ONLY COPY).

The authoritative reference and input builder live on the scoring server;
editing this copy changes nothing except your own understanding.
"""

import jax, jax.numpy as jnp
import numpy as np

C = 1.0

def logmap0(x):
    norm = jnp.clip(jnp.linalg.norm(x, axis=-1, keepdims=True), 1e-15, None)
    scn = jnp.clip(jnp.sqrt(C) * norm, None, 1.0 - 1e-7)
    return jnp.arctanh(scn) * x / (jnp.sqrt(C) * norm)

def expmap0(v):
    norm = jnp.clip(jnp.linalg.norm(v, axis=-1, keepdims=True), 1e-15, None)
    return jnp.tanh(jnp.sqrt(C) * norm) * v / (jnp.sqrt(C) * norm)

def setup_inputs(seed: int = 0):
    key = jax.random.key(seed)
    ks = jax.random.split(key, 12)
    N, E, D = 10000, 320000, 128
    x_raw = jax.random.normal(ks[0], (N, D), dtype=jnp.float32)
    # project onto Poincare ball (valid hyperbolic points, norm < 1)
    x = 0.05 * x_raw / (1.0 + jnp.linalg.norm(x_raw, axis=-1, keepdims=True))
    edge_index = jax.random.randint(ks[1], (2, E), 0, N, dtype=jnp.int32)
    s = 1.0 / np.sqrt(D)
    W1 = jax.random.uniform(ks[2], (D, D), minval=-s, maxval=s, dtype=jnp.float32)
    b1 = jax.random.uniform(ks[3], (D,), minval=-s, maxval=s, dtype=jnp.float32)
    W2 = jax.random.uniform(ks[4], (D, D), minval=-s, maxval=s, dtype=jnp.float32)
    b2 = jax.random.uniform(ks[5], (D,), minval=-s, maxval=s, dtype=jnp.float32)
    U1 = jax.random.uniform(ks[6], (D, D), minval=-s, maxval=s, dtype=jnp.float32)
    ub1 = jax.random.uniform(ks[7], (D,), minval=-s, maxval=s, dtype=jnp.float32)
    U2 = jax.random.uniform(ks[8], (D, D), minval=-s, maxval=s, dtype=jnp.float32)
    ub2 = jax.random.uniform(ks[9], (D,), minval=-s, maxval=s, dtype=jnp.float32)
    return {"x": x, "edge_index": edge_index, "W1": W1, "b1": b1, "W2": W2, "b2": b2, "U1": U1, "ub1": ub1, "U2": U2, "ub2": ub2}

def reference(x, edge_index, W1, b1, W2, b2, U1, ub1, U2, ub2):
    N = x.shape[0]
    E = edge_index.shape[1]
    x_tangent = logmap0(x)
    row = edge_index[0]
    col = edge_index[1]
    # msg_mlp: Linear -> ReLU -> Linear, applied to gathered source features
    gathered = jnp.take(x_tangent, col, axis=0)
    messages = jnp.maximum(gathered @ W1 + b1, 0.0) @ W2 + b2
    # mean aggregation via scatter-add + count
    out = jax.ops.segment_sum(messages, row, num_segments=N)
    count = jax.ops.segment_sum(jnp.ones((E,), dtype=jnp.float32), row, num_segments=N)
    out = out / (count[:, None] + 1e-08)
    # update_mlp
    out = jnp.maximum(out @ U1 + ub1, 0.0) @ U2 + ub2
    return expmap0(out)

if __name__ == "__main__":
    import jax
    _d = setup_inputs()
    print(jax.jit(kernel)(*tuple(_d.values())))

</pallas_src>

<mosaic_0001>
#map = affine_map<(d0, d1) -> (0, 0)>
#map1 = affine_map<(d0, d1) -> (0, 0, 0)>
module attributes {stable_mosaic.version = 14 : i64} {
  func.func @sc_kernel(%arg0: i32, %arg1: i32, %arg2: memref<10240x128xf32, #tpu.memory_space<hbm>>, %arg3: memref<32x79x128xi32, #tpu.memory_space<hbm>>, %arg4: memref<32x79x128xi32, #tpu.memory_space<hbm>>, %arg5: memref<2x10240x128xf32, #tpu.memory_space<hbm>>, %arg6: memref<2x10240xf32, #tpu.memory_space<hbm>>, %arg7: memref<79x128xi32, #tpu.memory_space<vmem>>, %arg8: memref<79x128xi32, #tpu.memory_space<vmem>>, %arg9: memref<128x128xf32, #tpu.memory_space<vmem>>, %arg10: memref<128xf32, #tpu.memory_space<vmem>>, %arg11: memref<10240x128xf32, #tpu.memory_space<vmem_shared>>, %arg12: memref<10240xf32, #tpu.memory_space<vmem_shared>>, %arg13: memref<!tpu.dma_semaphore, #tpu.memory_space<semaphore_mem>>, %arg14: memref<!tpu.dma_semaphore, #tpu.memory_space<semaphore_mem>>) attributes {dimension_semantics = [#tpu.dimension_semantics<core_parallel>, #tpu.dimension_semantics<subcore_parallel>], iteration_bounds = array<i64: 2, 16>, scalar_prefetch = 0 : i64, scratch_operands = 8 : i64, tpu.core_type = #tpu.core_type<sc_vector_subcore>, window_params = [{transform_indices = #map}, {transform_indices = #map1}, {transform_indices = #map1}, {transform_indices = #map1}, {transform_indices = #map}]} {
    %mul3A = arith.constant 2 : i32
    %mul3A_0 = arith.muli %arg1, %mul3A : i32
    %add3A = arith.addi %mul3A_0, %arg0 : i32
    %scan3A = arith.constant 0 : i32
    %scan3A_1 = arith.constant 0 : i32
    %scan3A_2 = arith.constant 128 : i32
    %scan3A_3 = arith.addi %scan3A_1, %scan3A_2 : i32
    %scan3A_4 = arith.constant 1 : i32
    %scan3A_5 = scf.for %scan3A_94 = %scan3A_1 to %scan3A_3 step %scan3A_4 iter_args(%scan3A_95 = %scan3A) -> (i32)  : i32 {
      %broadcast_in_dim3A_96 = arith.constant 0.000000e+00 : f32
      %broadcast_in_dim3A_97 = vector.broadcast %broadcast_in_dim3A_96 : f32 to vector<16xf32>
      %swap3A_98 = arith.index_cast %scan3A_94 : i32 to index
      %swap3A_99 = arith.constant 0 : index
      %swap3A_100 = tpu.vector_load %arg9[%swap3A_98, %swap3A_99] {strides = array<i32>} : memref<128x128xf32, #tpu.memory_space<vmem>>, vector<1x16xf32>,
      %swap3A_101 = vector.shape_cast %swap3A_100 : vector<1x16xf32> to vector<16xf32>
      %swap3A_102 = vector.shape_cast %broadcast_in_dim3A_97 : vector<16xf32> to vector<1x16xf32>
      tpu.vector_store %arg9[%swap3A_98, %swap3A_99], %swap3A_102 {strides = array<i32>} : memref<128x128xf32, #tpu.memory_space<vmem>>, vector<1x16xf32>,
      %broadcast_in_dim3A_103 = arith.constant 0.000000e+00 : f32
      %broadcast_in_dim3A_104 = vector.broadcast %broadcast_in_dim3A_103 : f32 to vector<16xf32>
      %swap3A_105 = arith.index_cast %scan3A_94 : i32 to index
      %swap3A_106 = arith.constant 16 : index
      %swap3A_107 = tpu.vector_load %arg9[%swap3A_105, %swap3A_106] {strides = array<i32>} : memref<128x128xf32, #tpu.memory_space<vmem>>, vector<1x16xf32>,
      %swap3A_108 = vector.shape_cast %swap3A_107 : vector<1x16xf32> to vector<16xf32>
      %swap3A_109 = vector.shape_cast %broadcast_in_dim3A_104 : vector<16xf32> to vector<1x16xf32>
      tpu.vector_store %arg9[%swap3A_105, %swap3A_106], %swap3A_109 {strides = array<i32>} : memref<128x128xf32, #tpu.memory_space<vmem>>, vector<1x16xf32>,
      %broadcast_in_dim3A_110 = arith.constant 0.000000e+00 : f32
      %broadcast_in_dim3A_111 = vector.broadcast %broadcast_in_dim3A_110 : f32 to vector<16xf32>
      %swap3A_112 = arith.index_cast %scan3A_94 : i32 to index
      %swap3A_113 = arith.constant 32 : index
      %swap3A_114 = tpu.vector_load %arg9[%swap3A_112, %swap3A_113] {strides = array<i32>} : memref<128x128xf32, #tpu.memory_space<vmem>>, vector<1x16xf32>,
      %swap3A_115 = vector.shape_cast %swap3A_114 : vector<1x16xf32> to vector<16xf32>
      %swap3A_116 = vector.shape_cast %broadcast_in_dim3A_111 : vector<16xf32> to vector<1x16xf32>
      tpu.vector_store %arg9[%swap3A_112, %swap3A_113], %swap3A_116 {strides = array<i32>} : memref<128x128xf32, #tpu.memory_space<vmem>>, vector<1x16xf32>,
      %broadcast_in_dim3A_117 = arith.constant 0.000000e+00 : f32
      %broadcast_in_dim3A_118 = vector.broadcast %broadcast_in_dim3A_117 : f32 to vector<16xf32>
      %swap3A_119 = arith.index_cast %scan3A_94 : i32 to index
      %swap3A_120 = arith.constant 48 : index
      %swap3A_121 = tpu.vector_load %arg9[%swap3A_119, %swap3A_120] {strides = array<i32>} : memref<128x128xf32, #tpu.memory_space<vmem>>, vector<1x16xf32>,
      %swap3A_122 = vector.shape_cast %swap3A_121 : vector<1x16xf32> to vector<16xf32>
      %swap3A_123 = vector.shape_cast %broadcast_in_dim3A_118 : vector<16xf32> to vector<1x16xf32>
      tpu.vector_store %arg9[%swap3A_119, %swap3A_120], %swap3A_123 {strides = array<i32>} : memref<128x128xf32, #tpu.memory_space<vmem>>, vector<1x16xf32>,
      %broadcast_in_dim3A_124 = arith.constant 0.000000e+00 : f32
      %broadcast_in_dim3A_125 = vector.broadcast %broadcast_in_dim3A_124 : f32 to vector<16xf32>
      %swap3A_126 = arith.index_cast %scan3A_94 : i32 to index
      %swap3A_127 = arith.constant 64 : index
      %swap3A_128 = tpu.vector_load %arg9[%swap3A_126, %swap3A_127] {strides = array<i32>} : memref<128x128xf32, #tpu.memory_space<vmem>>, vector<1x16xf32>,
      %swap3A_129 = vector.shape_cast %swap3A_128 : vector<1x16xf32> to vector<16xf32>
      %swap3A_130 = vector.shape_cast %broadcast_in_dim3A_125 : vector<16xf32> to vector<1x16xf32>
      tpu.vector_store %arg9[%swap3A_126, %swap3A_127], %swap3A_130 {strides = array<i32>} : memref<128x128xf32, #tpu.memory_space<vmem>>, vector<1x16xf32>,
      %broadcast_in_dim3A_131 = arith.constant 0.000000e+00 : f32
      %broadcast_in_dim3A_132 = vector.broadcast %broadcast_in_dim3A_131 : f32 to vector<16xf32>
      %swap3A_133 = arith.index_cast %scan3A_94 : i32 to index
      %swap3A_134 = arith.constant 80 : index
      %swap3A_135 = tpu.vector_load %arg9[%swap3A_133, %swap3A_134] {strides = array<i32>} : memref<128x128xf32, #tpu.memory_space<vmem>>, vector<1x16xf32>,
      %swap3A_136 = vector.shape_cast %swap3A_135 : vector<1x16xf32> to vector<16xf32>
      %swap3A_137 = vector.shape_cast %broadcast_in_dim3A_132 : vector<16xf32> to vector<1x16xf32>
      tpu.vector_store %arg9[%swap3A_133, %swap3A_134], %swap3A_137 {strides = array<i32>} : memref<128x128xf32, #tpu.memory_space<vmem>>, vector<1x16xf32>,
      %broadcast_in_dim3A_138 = arith.constant 0.000000e+00 : f32
      %broadcast_in_dim3A_139 = vector.broadcast %broadcast_in_dim3A_138 : f32 to vector<16xf32>
      %swap3A_140 = arith.index_cast %scan3A_94 : i32 to index
      %swap3A_141 = arith.constant 96 : index
      %swap3A_142 = tpu.vector_load %arg9[%swap3A_140, %swap3A_141] {strides = array<i32>} : memref<128x128xf32, #tpu.memory_space<vmem>>, vector<1x16xf32>,
      %swap3A_143 = vector.shape_cast %swap3A_142 : vector<1x16xf32> to vector<16xf32>
      %swap3A_144 = vector.shape_cast %broadcast_in_dim3A_139 : vector<16xf32> to vector<1x16xf32>
      tpu.vector_store %arg9[%swap3A_140, %swap3A_141], %swap3A_144 {strides = array<i32>} : memref<128x128xf32, #tpu.memory_space<vmem>>, vector<1x16xf32>,
      %broadcast_in_dim3A_145 = arith.constant 0.000000e+00 : f32
      %broadcast_in_dim3A_146 = vector.broadcast %broadcast_in_dim3A_145 : f32 to vector<16xf32>
      %swap3A_147 = arith.index_cast %scan3A_94 : i32 to index
      %swap3A_148 = arith.constant 112 : index
      %swap3A_149 = tpu.vector_load %arg9[%swap3A_147, %swap3A_148] {strides = array<i32>} : memref<128x128xf32, #tpu.memory_space<vmem>>, vector<1x16xf32>,
      %swap3A_150 = vector.shape_cast %swap3A_149 : vector<1x16xf32> to vector<16xf32>
      %swap3A_151 = vector.shape_cast %broadcast_in_dim3A_146 : vector<16xf32> to vector<1x16xf32>
      tpu.vector_store %arg9[%swap3A_147, %swap3A_148], %swap3A_151 {strides = array<i32>} : memref<128x128xf32, #tpu.memory_space<vmem>>, vector<1x16xf32>,
      %scan3A_152 = arith.constant 0 : i32
      scf.yield %scan3A_152 : i32
    }
    %scan3A_6 = arith.constant 128 : i32
    %broadcast_in_dim3A = arith.constant 1.000000e+00 : f32
    %broadcast_in_dim3A_7 = vector.broadcast %broadcast_in_dim3A : f32 to vector<16xf32>
    %swap3A = arith.constant 0 : index
    %swap3A_8 = tpu.vector_load %arg10[%swap3A] {strides = array<i32>} : memref<128xf32, #tpu.memory_space<vmem>>, vector<16xf32>,
    %swap3A_9 = vector.shape_cast %swap3A_8 : vector<16xf32> to vector<16xf32>
    %swap3A_10 = vector.shape_cast %broadcast_in_dim3A_7 : vector<16xf32> to vector<16xf32>
    tpu.vector_store %arg10[%swap3A], %swap3A_10 {strides = array<i32>} : memref<128xf32, #tpu.memory_space<vmem>>, vector<16xf32>,
    %broadcast_in_dim3A_11 = arith.constant 1.000000e+00 : f32
    %broadcast_in_dim3A_12 = vector.broadcast %broadcast_in_dim3A_11 : f32 to vector<16xf32>
    %swap3A_13 = arith.constant 16 : index
    %swap3A_14 = tpu.vector_load %arg10[%swap3A_13] {strides = array<i32>} : memref<128xf32, #tpu.memory_space<vmem>>, vector<16xf32>,
    %swap3A_15 = vector.shape_cast %swap3A_14 : vector<16xf32> to vector<16xf32>
    %swap3A_16 = vector.shape_cast %broadcast_in_dim3A_12 : vector<16xf32> to vector<16xf32>
    tpu.vector_store %arg10[%swap3A_13], %swap3A_16 {strides = array<i32>} : memref<128xf32, #tpu.memory_space<vmem>>, vector<16xf32>,
    %broadcast_in_dim3A_17 = arith.constant 1.000000e+00 : f32
    %broadcast_in_dim3A_18 = vector.broadcast %broadcast_in_dim3A_17 : f32 to vector<16xf32>
    %swap3A_19 = arith.constant 32 : index
    %swap3A_20 = tpu.vector_load %arg10[%swap3A_19] {strides = array<i32>} : memref<128xf32, #tpu.memory_space<vmem>>, vector<16xf32>,
    %swap3A_21 = vector.shape_cast %swap3A_20 : vector<16xf32> to vector<16xf32>
    %swap3A_22 = vector.shape_cast %broadcast_in_dim3A_18 : vector<16xf32> to vector<16xf32>
    tpu.vector_store %arg10[%swap3A_19], %swap3A_22 {strides = array<i32>} : memref<128xf32, #tpu.memory_space<vmem>>, vector<16xf32>,
    %broadcast_in_dim3A_23 = arith.constant 1.000000e+00 : f32
    %broadcast_in_dim3A_24 = vector.broadcast %broadcast_in_dim3A_23 : f32 to vector<16xf32>
    %swap3A_25 = arith.constant 48 : index
    %swap3A_26 = tpu.vector_load %arg10[%swap3A_25] {strides = array<i32>} : memref<128xf32, #tpu.memory_space<vmem>>, vector<16xf32>,
    %swap3A_27 = vector.shape_cast %swap3A_26 : vector<16xf32> to vector<16xf32>
    %swap3A_28 = vector.shape_cast %broadcast_in_dim3A_24 : vector<16xf32> to vector<16xf32>
    tpu.vector_store %arg10[%swap3A_25], %swap3A_28 {strides = array<i32>} : memref<128xf32, #tpu.memory_space<vmem>>, vector<16xf32>,
    %broadcast_in_dim3A_29 = arith.constant 1.000000e+00 : f32
    %broadcast_in_dim3A_30 = vector.broadcast %broadcast_in_dim3A_29 : f32 to vector<16xf32>
    %swap3A_31 = arith.constant 64 : index
    %swap3A_32 = tpu.vector_load %arg10[%swap3A_31] {strides = array<i32>} : memref<128xf32, #tpu.memory_space<vmem>>, vector<16xf32>,
    %swap3A_33 = vector.shape_cast %swap3A_32 : vector<16xf32> to vector<16xf32>
    %swap3A_34 = vector.shape_cast %broadcast_in_dim3A_30 : vector<16xf32> to vector<16xf32>
    tpu.vector_store %arg10[%swap3A_31], %swap3A_34 {strides = array<i32>} : memref<128xf32, #tpu.memory_space<vmem>>, vector<16xf32>,
    %broadcast_in_dim3A_35 = arith.constant 1.000000e+00 : f32
    %broadcast_in_dim3A_36 = vector.broadcast %broadcast_in_dim3A_35 : f32 to vector<16xf32>
    %swap3A_37 = arith.constant 80 : index
    %swap3A_38 = tpu.vector_load %arg10[%swap3A_37] {strides = array<i32>} : memref<128xf32, #tpu.memory_space<vmem>>, vector<16xf32>,
    %swap3A_39 = vector.shape_cast %swap3A_38 : vector<16xf32> to vector<16xf32>
    %swap3A_40 = vector.shape_cast %broadcast_in_dim3A_36 : vector<16xf32> to vector<16xf32>
    tpu.vector_store %arg10[%swap3A_37], %swap3A_40 {strides = array<i32>} : memref<128xf32, #tpu.memory_space<vmem>>, vector<16xf32>,
    %broadcast_in_dim3A_41 = arith.constant 1.000000e+00 : f32
    %broadcast_in_dim3A_42 = vector.broadcast %broadcast_in_dim3A_41 : f32 to vector<16xf32>
    %swap3A_43 = arith.constant 96 : index
    %swap3A_44 = tpu.vector_load %arg10[%swap3A_43] {strides = array<i32>} : memref<128xf32, #tpu.memory_space<vmem>>, vector<16xf32>,
    %swap3A_45 = vector.shape_cast %swap3A_44 : vector<16xf32> to vector<16xf32>
    %swap3A_46 = vector.shape_cast %broadcast_in_dim3A_42 : vector<16xf32> to vector<16xf32>
    tpu.vector_store %arg10[%swap3A_43], %swap3A_46 {strides = array<i32>} : memref<128xf32, #tpu.memory_space<vmem>>, vector<16xf32>,
    %broadcast_in_dim3A_47 = arith.constant 1.000000e+00 : f32
    %broadcast_in_dim3A_48 = vector.broadcast %broadcast_in_dim3A_47 : f32 to vector<16xf32>
    %swap3A_49 = arith.constant 112 : index
    %swap3A_50 = tpu.vector_load %arg10[%swap3A_49] {strides = array<i32>} : memref<128xf32, #tpu.memory_space<vmem>>, vector<16xf32>,
    %swap3A_51 = vector.shape_cast %swap3A_50 : vector<16xf32> to vector<16xf32>
    %swap3A_52 = vector.shape_cast %broadcast_in_dim3A_48 : vector<16xf32> to vector<16xf32>
    tpu.vector_store %arg10[%swap3A_49], %swap3A_52 {strides = array<i32>} : memref<128xf32, #tpu.memory_space<vmem>>, vector<16xf32>,
    %mul3A_53 = arith.constant 640 : i32
    %mul3A_54 = arith.muli %arg1, %mul3A_53 : i32
    %add3A_55 = arith.constant 0 : i32
    %add3A_56 = arith.addi %mul3A_54, %add3A_55 : i32
    "tpu.region"() ({
      %run_scoped3A_94 = tpu.sem_alloc : memref<!tpu.dma_semaphore, #tpu.memory_space<semaphore_mem>>
      %dma_start3A = arith.constant 0 : i32
      %dma_start3A_95 = tpu.memref_slice %arg11[%add3A_56, %dma_start3A] : memref<10240x128xf32, #tpu.memory_space<vmem_shared>> -> memref<128x128xf32, #tpu.memory_space<vmem_shared>>
      %dma_start3A_96 = arith.constant 0 : i32
      %dma_start3A_97 = tpu.memref_slice %arg11[%add3A_56, %dma_start3A_96] : memref<10240x128xf32, #tpu.memory_space<vmem_shared>> -> memref<128x128xf32, #tpu.memory_space<vmem_shared>>
      tpu.enqueue_dma source(%arg9 : memref<128x128xf32, #tpu.memory_space<vmem>>) target(%dma_start3A_97 : memref<128x128xf32, #tpu.memory_space<vmem_shared>>) target_semaphore(%run_scoped3A_94 : memref<!tpu.dma_semaphore, #tpu.memory_space<semaphore_mem>>)
      %dma_wait3A_98 = arith.constant 0 : i32
      %dma_wait3A_99 = tpu.memref_slice %arg11[%add3A_56, %dma_wait3A_98] : memref<10240x128xf32, #tpu.memory_space<vmem_shared>> -> memref<128x128xf32, #tpu.memory_space<vmem_shared>>
      %dma_wait3A_100 = arith.constant 0 : i32
      %dma_wait3A_101 = tpu.memref_slice %arg11[%add3A_56, %dma_wait3A_100] : memref<10240x128xf32, #tpu.memory_space<vmem_shared>> -> memref<128x128xf32, #tpu.memory_space<vmem_shared>>
      tpu.wait_dma2 semaphore(%run_scoped3A_94 : memref<!tpu.dma_semaphore, #tpu.memory_space<semaphore_mem>>) src(%arg9 : memref<128x128xf32, #tpu.memory_space<vmem>>) dst(%dma_wait3A_101 : memref<128x128xf32, #tpu.memory_space<vmem_shared>>)
      tpu.yield
    }) : () -> ()
    %add3A_57 = arith.constant 128 : i32
    %add3A_58 = arith.addi %mul3A_54, %add3A_57 : i32
    "tpu.region"() ({
      %run_scoped3A_94 = tpu.sem_alloc : memref<!tpu.dma_semaphore, #tpu.memory_space<semaphore_mem>>
      %dma_start3A = arith.constant 0 : i32
      %dma_start3A_95 = tpu.memref_slice %arg11[%add3A_58, %dma_start3A] : memref<10240x128xf32, #tpu.memory_space<vmem_shared>> -> memref<128x128xf32, #tpu.memory_space<vmem_shared>>
      %dma_start3A_96 = arith.constant 0 : i32
      %dma_start3A_97 = tpu.memref_slice %arg11[%add3A_58, %dma_start3A_96] : memref<10240x128xf32, #tpu.memory_space<vmem_shared>> -> memref<128x128xf32, #tpu.memory_space<vmem_shared>>
      tpu.enqueue_dma source(%arg9 : memref<128x128xf32, #tpu.memory_space<vmem>>) target(%dma_start3A_97 : memref<128x128xf32, #tpu.memory_space<vmem_shared>>) target_semaphore(%run_scoped3A_94 : memref<!tpu.dma_semaphore, #tpu.memory_space<semaphore_mem>>)
      %dma_wait3A_98 = arith.constant 0 : i32
      %dma_wait3A_99 = tpu.memref_slice %arg11[%add3A_58, %dma_wait3A_98] : memref<10240x128xf32, #tpu.memory_space<vmem_shared>> -> memref<128x128xf32, #tpu.memory_space<vmem_shared>>
      %dma_wait3A_100 = arith.constant 0 : i32
      %dma_wait3A_101 = tpu.memref_slice %arg11[%add3A_58, %dma_wait3A_100] : memref<10240x128xf32, #tpu.memory_space<vmem_shared>> -> memref<128x128xf32, #tpu.memory_space<vmem_shared>>
      tpu.wait_dma2 semaphore(%run_scoped3A_94 : memref<!tpu.dma_semaphore, #tpu.memory_space<semaphore_mem>>) src(%arg9 : memref<128x128xf32, #tpu.memory_space<vmem>>) dst(%dma_wait3A_101 : memref<128x128xf32, #tpu.memory_space<vmem_shared>>)
      tpu.yield
    }) : () -> ()
    %add3A_59 = arith.constant 256 : i32
    %add3A_60 = arith.addi %mul3A_54, %add3A_59 : i32
    "tpu.region"() ({
      %run_scoped3A_94 = tpu.sem_alloc : memref<!tpu.dma_semaphore, #tpu.memory_space<semaphore_mem>>
      %dma_start3A = arith.constant 0 : i32
      %dma_start3A_95 = tpu.memref_slice %arg11[%add3A_60, %dma_start3A] : memref<10240x128xf32, #tpu.memory_space<vmem_shared>> -> memref<128x128xf32, #tpu.memory_space<vmem_shared>>
      %dma_start3A_96 = arith.constant 0 : i32
      %dma_start3A_97 = tpu.memref_slice %arg11[%add3A_60, %dma_start3A_96] : memref<10240x128xf32, #tpu.memory_space<vmem_shared>> -> memref<128x128xf32, #tpu.memory_space<vmem_shared>>
      tpu.enqueue_dma source(%arg9 : memref<128x128xf32, #tpu.memory_space<vmem>>) target(%dma_start3A_97 : memref<128x128xf32, #tpu.memory_space<vmem_shared>>) target_semaphore(%run_scoped3A_94 : memref<!tpu.dma_semaphore, #tpu.memory_space<semaphore_mem>>)
      %dma_wait3A_98 = arith.constant 0 : i32
      %dma_wait3A_99 = tpu.memref_slice %arg11[%add3A_60, %dma_wait3A_98] : memref<10240x128xf32, #tpu.memory_space<vmem_shared>> -> memref<128x128xf32, #tpu.memory_space<vmem_shared>>
      %dma_wait3A_100 = arith.constant 0 : i32
      %dma_wait3A_101 = tpu.memref_slice %arg11[%add3A_60, %dma_wait3A_100] : memref<10240x128xf32, #tpu.memory_space<vmem_shared>> -> memref<128x128xf32, #tpu.memory_space<vmem_shared>>
      tpu.wait_dma2 semaphore(%run_scoped3A_94 : memref<!tpu.dma_semaphore, #tpu.memory_space<semaphore_mem>>) src(%arg9 : memref<128x128xf32, #tpu.memory_space<vmem>>) dst(%dma_wait3A_101 : memref<128x128xf32, #tpu.memory_space<vmem_shared>>)
      tpu.yield
    }) : () -> ()
    %add3A_61 = arith.constant 384 : i32
    %add3A_62 = arith.addi %mul3A_54, %add3A_61 : i32
    "tpu.region"() ({
      %run_scoped3A_94 = tpu.sem_alloc : memref<!tpu.dma_semaphore, #tpu.memory_space<semaphore_mem>>
      %dma_start3A = arith.constant 0 : i32
      %dma_start3A_95 = tpu.memref_slice %arg11[%add3A_62, %dma_start3A] : memref<10240x128xf32, #tpu.memory_space<vmem_shared>> -> memref<128x128xf32, #tpu.memory_space<vmem_shared>>
      %dma_start3A_96 = arith.constant 0 : i32
      %dma_start3A_97 = tpu.memref_slice %arg11[%add3A_62, %dma_start3A_96] : memref<10240x128xf32, #tpu.memory_space<vmem_shared>> -> memref<128x128xf32, #tpu.memory_space<vmem_shared>>
      tpu.enqueue_dma source(%arg9 : memref<128x128xf32, #tpu.memory_space<vmem>>) target(%dma_start3A_97 : memref<128x128xf32, #tpu.memory_space<vmem_shared>>) target_semaphore(%run_scoped3A_94 : memref<!tpu.dma_semaphore, #tpu.memory_space<semaphore_mem>>)
      %dma_wait3A_98 = arith.constant 0 : i32
      %dma_wait3A_99 = tpu.memref_slice %arg11[%add3A_62, %dma_wait3A_98] : memref<10240x128xf32, #tpu.memory_space<vmem_shared>> -> memref<128x128xf32, #tpu.memory_space<vmem_shared>>
      %dma_wait3A_100 = arith.constant 0 : i32
      %dma_wait3A_101 = tpu.memref_slice %arg11[%add3A_62, %dma_wait3A_100] : memref<10240x128xf32, #tpu.memory_space<vmem_shared>> -> memref<128x128xf32, #tpu.memory_space<vmem_shared>>
      tpu.wait_dma2 semaphore(%run_scoped3A_94 : memref<!tpu.dma_semaphore, #tpu.memory_space<semaphore_mem>>) src(%arg9 : memref<128x128xf32, #tpu.memory_space<vmem>>) dst(%dma_wait3A_101 : memref<128x128xf32, #tpu.memory_space<vmem_shared>>)
      tpu.yield
    }) : () -> ()
    %add3A_63 = arith.constant 512 : i32
    %add3A_64 = arith.addi %mul3A_54, %add3A_63 : i32
    "tpu.region"() ({
      %run_scoped3A_94 = tpu.sem_alloc : memref<!tpu.dma_semaphore, #tpu.memory_space<semaphore_mem>>
      %dma_start3A = arith.constant 0 : i32
      %dma_start3A_95 = tpu.memref_slice %arg11[%add3A_64, %dma_start3A] : memref<10240x128xf32, #tpu.memory_space<vmem_shared>> -> memref<128x128xf32, #tpu.memory_space<vmem_shared>>
      %dma_start3A_96 = arith.constant 0 : i32
      %dma_start3A_97 = tpu.memref_slice %arg11[%add3A_64, %dma_start3A_96] : memref<10240x128xf32, #tpu.memory_space<vmem_shared>> -> memref<128x128xf32, #tpu.memory_space<vmem_shared>>
      tpu.enqueue_dma source(%arg9 : memref<128x128xf32, #tpu.memory_space<vmem>>) target(%dma_start3A_97 : memref<128x128xf32, #tpu.memory_space<vmem_shared>>) target_semaphore(%run_scoped3A_94 : memref<!tpu.dma_semaphore, #tpu.memory_space<semaphore_mem>>)
      %dma_wait3A_98 = arith.constant 0 : i32
      %dma_wait3A_99 = tpu.memref_slice %arg11[%add3A_64, %dma_wait3A_98] : memref<10240x128xf32, #tpu.memory_space<vmem_shared>> -> memref<128x128xf32, #tpu.memory_space<vmem_shared>>
      %dma_wait3A_100 = arith.constant 0 : i32
      %dma_wait3A_101 = tpu.memref_slice %arg11[%add3A_64, %dma_wait3A_100] : memref<10240x128xf32, #tpu.memory_space<vmem_shared>> -> memref<128x128xf32, #tpu.memory_space<vmem_shared>>
      tpu.wait_dma2 semaphore(%run_scoped3A_94 : memref<!tpu.dma_semaphore, #tpu.memory_space<semaphore_mem>>) src(%arg9 : memref<128x128xf32, #tpu.memory_space<vmem>>) dst(%dma_wait3A_101 : memref<128x128xf32, #tpu.memory_space<vmem_shared>>)
      tpu.yield
    }) : () -> ()
    %add3A_65 = arith.constant 0 : i32
    %add3A_66 = arith.addi %mul3A_54, %add3A_65 : i32
    %run_scoped3A = arith.constant 0 : i32
    "tpu.region"() ({
      %run_scoped3A_94 = tpu.sem_alloc : memref<!tpu.dma_semaphore, #tpu.memory_space<semaphore_mem>>
      %dma_start3A = arith.constant 0 : i32
      %dma_start3A_95 = tpu.memref_slice %arg9[%run_scoped3A, %dma_start3A] : memref<128x128xf32, #tpu.memory_space<vmem>> -> memref<1x128xf32, #tpu.memory_space<vmem>>
      %dma_start3A_96 = tpu.memref_squeeze %dma_start3A_95 : memref<1x128xf32, #tpu.memory_space<vmem>> -> memref<128xf32, #tpu.memory_space<vmem>>
      %dma_start3A_97 = tpu.memref_slice %arg12[%add3A_66] : memref<10240xf32, #tpu.memory_space<vmem_shared>> -> memref<128xf32, #tpu.memory_space<vmem_shared>>
      %dma_start3A_98 = tpu.memref_slice %arg12[%add3A_66] : memref<10240xf32, #tpu.memory_space<vmem_shared>> -> memref<128xf32, #tpu.memory_space<vmem_shared>>
      %dma_start3A_99 = arith.constant 0 : i32
      %dma_start3A_100 = tpu.memref_slice %arg9[%run_scoped3A, %dma_start3A_99] : memref<128x128xf32, #tpu.memory_space<vmem>> -> memref<1x128xf32, #tpu.memory_space<vmem>>
      %dma_start3A_101 = tpu.memref_squeeze %dma_start3A_100 : memref<1x128xf32, #tpu.memory_space<vmem>> -> memref<128xf32, #tpu.memory_space<vmem>>
      tpu.enqueue_dma source(%dma_start3A_101 : memref<128xf32, #tpu.memory_space<vmem>>) target(%dma_start3A_98 : memref<128xf32, #tpu.memory_space<vmem_shared>>) target_semaphore(%run_scoped3A_94 : memref<!tpu.dma_semaphore, #tpu.memory_space<semaphore_mem>>)
      %dma_wait3A_102 = arith.constant 0 : i32
      %dma_wait3A_103 = tpu.memref_slice %arg9[%run_scoped3A, %dma_wait3A_102] : memref<128x128xf32, #tpu.memory_space<vmem>> -> memref<1x128xf32, #tpu.memory_space<vmem>>
      %dma_wait3A_104 = tpu.memref_squeeze %dma_wait3A_103 : memref<1x128xf32, #tpu.memory_space<vmem>> -> memref<128xf32, #tpu.memory_space<vmem>>
      %dma_wait3A_105 = tpu.memref_slice %arg12[%add3A_66] : memref<10240xf32, #tpu.memory_space<vmem_shared>> -> memref<128xf32, #tpu.memory_space<vmem_shared>>
      %dma_wait3A_106 = tpu.memref_slice %arg12[%add3A_66] : memref<10240xf32, #tpu.memory_space<vmem_shared>> -> memref<128xf32, #tpu.memory_space<vmem_shared>>
      %dma_wait3A_107 = arith.constant 0 : i32
      %dma_wait3A_108 = tpu.memref_slice %arg9[%run_scoped3A, %dma_wait3A_107] : memref<128x128xf32, #tpu.memory_space<vmem>> -> memref<1x128xf32, #tpu.memory_space<vmem>>
      %dma_wait3A_109 = tpu.memref_squeeze %dma_wait3A_108 : memref<1x128xf32, #tpu.memory_space<vmem>> -> memref<128xf32, #tpu.memory_space<vmem>>
      tpu.wait_dma2 semaphore(%run_scoped3A_94 : memref<!tpu.dma_semaphore, #tpu.memory_space<semaphore_mem>>) src(%dma_wait3A_109 : memref<128xf32, #tpu.memory_space<vmem>>) dst(%dma_wait3A_106 : memref<128xf32, #tpu.memory_space<vmem_shared>>)
      tpu.yield
    }) : () -> ()
    %add3A_67 = arith.constant 128 : i32
    %add3A_68 = arith.addi %mul3A_54, %add3A_67 : i32
    %run_scoped3A_69 = arith.constant 0 : i32
    "tpu.region"() ({
      %run_scoped3A_94 = tpu.sem_alloc : memref<!tpu.dma_semaphore, #tpu.memory_space<semaphore_mem>>
      %dma_start3A = arith.constant 0 : i32
      %dma_start3A_95 = tpu.memref_slice %arg9[%run_scoped3A_69, %dma_start3A] : memref<128x128xf32, #tpu.memory_space<vmem>> -> memref<1x128xf32, #tpu.memory_space<vmem>>
      %dma_start3A_96 = tpu.memref_squeeze %dma_start3A_95 : memref<1x128xf32, #tpu.memory_space<vmem>> -> memref<128xf32, #tpu.memory_space<vmem>>
      %dma_start3A_97 = tpu.memref_slice %arg12[%add3A_68] : memref<10240xf32, #tpu.memory_space<vmem_shared>> -> memref<128xf32, #tpu.memory_space<vmem_shared>>
      %dma_start3A_98 = tpu.memref_slice %arg12[%add3A_68] : memref<10240xf32, #tpu.memory_space<vmem_shared>> -> memref<128xf32, #tpu.memory_space<vmem_shared>>
      %dma_start3A_99 = arith.constant 0 : i32
      %dma_start3A_100 = tpu.memref_slice %arg9[%run_scoped3A_69, %dma_start3A_99] : memref<128x128xf32, #tpu.memory_space<vmem>> -> memref<1x128xf32, #tpu.memory_space<vmem>>
      %dma_start3A_101 = tpu.memref_squeeze %dma_start3A_100 : memref<1x128xf32, #tpu.memory_space<vmem>> -> memref<128xf32, #tpu.memory_space<vmem>>
      tpu.enqueue_dma source(%dma_start3A_101 : memref<128xf32, #tpu.memory_space<vmem>>) target(%dma_start3A_98 : memref<128xf32, #tpu.memory_space<vmem_shared>>) target_semaphore(%run_scoped3A_94 : memref<!tpu.dma_semaphore, #tpu.memory_space<semaphore_mem>>)
      %dma_wait3A_102 = arith.constant 0 : i32
      %dma_wait3A_103 = tpu.memref_slice %arg9[%run_scoped3A_69, %dma_wait3A_102] : memref<128x128xf32, #tpu.memory_space<vmem>> -> memref<1x128xf32, #tpu.memory_space<vmem>>
      %dma_wait3A_104 = tpu.memref_squeeze %dma_wait3A_103 : memref<1x128xf32, #tpu.memory_space<vmem>> -> memref<128xf32, #tpu.memory_space<vmem>>
      %dma_wait3A_105 = tpu.memref_slice %arg12[%add3A_68] : memref<10240xf32, #tpu.memory_space<vmem_shared>> -> memref<128xf32, #tpu.memory_space<vmem_shared>>
      %dma_wait3A_106 = tpu.memref_slice %arg12[%add3A_68] : memref<10240xf32, #tpu.memory_space<vmem_shared>> -> memref<128xf32, #tpu.memory_space<vmem_shared>>
      %dma_wait3A_107 = arith.constant 0 : i32
      %dma_wait3A_108 = tpu.memref_slice %arg9[%run_scoped3A_69, %dma_wait3A_107] : memref<128x128xf32, #tpu.memory_space<vmem>> -> memref<1x128xf32, #tpu.memory_space<vmem>>
      %dma_wait3A_109 = tpu.memref_squeeze %dma_wait3A_108 : memref<1x128xf32, #tpu.memory_space<vmem>> -> memref<128xf32, #tpu.memory_space<vmem>>
      tpu.wait_dma2 semaphore(%run_scoped3A_94 : memref<!tpu.dma_semaphore, #tpu.memory_space<semaphore_mem>>) src(%dma_wait3A_109 : memref<128xf32, #tpu.memory_space<vmem>>) dst(%dma_wait3A_106 : memref<128xf32, #tpu.memory_space<vmem_shared>>)
      tpu.yield
    }) : () -> ()
    %add3A_70 = arith.constant 256 : i32
    %add3A_71 = arith.addi %mul3A_54, %add3A_70 : i32
    %run_scoped3A_72 = arith.constant 0 : i32
    "tpu.region"() ({
      %run_scoped3A_94 = tpu.sem_alloc : memref<!tpu.dma_semaphore, #tpu.memory_space<semaphore_mem>>
      %dma_start3A = arith.constant 0 : i32
      %dma_start3A_95 = tpu.memref_slice %arg9[%run_scoped3A_72, %dma_start3A] : memref<128x128xf32, #tpu.memory_space<vmem>> -> memref<1x128xf32, #tpu.memory_space<vmem>>
      %dma_start3A_96 = tpu.memref_squeeze %dma_start3A_95 : memref<1x128xf32, #tpu.memory_space<vmem>> -> memref<128xf32, #tpu.memory_space<vmem>>
      %dma_start3A_97 = tpu.memref_slice %arg12[%add3A_71] : memref<10240xf32, #tpu.memory_space<vmem_shared>> -> memref<128xf32, #tpu.memory_space<vmem_shared>>
      %dma_start3A_98 = tpu.memref_slice %arg12[%add3A_71] : memref<10240xf32, #tpu.memory_space<vmem_shared>> -> memref<128xf32, #tpu.memory_space<vmem_shared>>
      %dma_start3A_99 = arith.constant 0 : i32
      %dma_start3A_100 = tpu.memref_slice %arg9[%run_scoped3A_72, %dma_start3A_99] : memref<128x128xf32, #tpu.memory_space<vmem>> -> memref<1x128xf32, #tpu.memory_space<vmem>>
      %dma_start3A_101 = tpu.memref_squeeze %dma_start3A_100 : memref<1x128xf32, #tpu.memory_space<vmem>> -> memref<128xf32, #tpu.memory_space<vmem>>
      tpu.enqueue_dma source(%dma_start3A_101 : memref<128xf32, #tpu.memory_space<vmem>>) target(%dma_start3A_98 : memref<128xf32, #tpu.memory_space<vmem_shared>>) target_semaphore(%run_scoped3A_94 : memref<!tpu.dma_semaphore, #tpu.memory_space<semaphore_mem>>)
      %dma_wait3A_102 = arith.constant 0 : i32
      %dma_wait3A_103 = tpu.memref_slice %arg9[%run_scoped3A_72, %dma_wait3A_102] : memref<128x128xf32, #tpu.memory_space<vmem>> -> memref<1x128xf32, #tpu.memory_space<vmem>>
      %dma_wait3A_104 = tpu.memref_squeeze %dma_wait3A_103 : memref<1x128xf32, #tpu.memory_space<vmem>> -> memref<128xf32, #tpu.memory_space<vmem>>
      %dma_wait3A_105 = tpu.memref_slice %arg12[%add3A_71] : memref<10240xf32, #tpu.memory_space<vmem_shared>> -> memref<128xf32, #tpu.memory_space<vmem_shared>>
      %dma_wait3A_106 = tpu.memref_slice %arg12[%add3A_71] : memref<10240xf32, #tpu.memory_space<vmem_shared>> -> memref<128xf32, #tpu.memory_space<vmem_shared>>
      %dma_wait3A_107 = arith.constant 0 : i32
      %dma_wait3A_108 = tpu.memref_slice %arg9[%run_scoped3A_72, %dma_wait3A_107] : memref<128x128xf32, #tpu.memory_space<vmem>> -> memref<1x128xf32, #tpu.memory_space<vmem>>
      %dma_wait3A_109 = tpu.memref_squeeze %dma_wait3A_108 : memref<1x128xf32, #tpu.memory_space<vmem>> -> memref<128xf32, #tpu.memory_space<vmem>>
      tpu.wait_dma2 semaphore(%run_scoped3A_94 : memref<!tpu.dma_semaphore, #tpu.memory_space<semaphore_mem>>) src(%dma_wait3A_109 : memref<128xf32, #tpu.memory_space<vmem>>) dst(%dma_wait3A_106 : memref<128xf32, #tpu.memory_space<vmem_shared>>)
      tpu.yield
    }) : () -> ()
    %add3A_73 = arith.constant 384 : i32
    %add3A_74 = arith.addi %mul3A_54, %add3A_73 : i32
    %run_scoped3A_75 = arith.constant 0 : i32
    "tpu.region"() ({
      %run_scoped3A_94 = tpu.sem_alloc : memref<!tpu.dma_semaphore, #tpu.memory_space<semaphore_mem>>
      %dma_start3A = arith.constant 0 : i32
      %dma_start3A_95 = tpu.memref_slice %arg9[%run_scoped3A_75, %dma_start3A] : memref<128x128xf32, #tpu.memory_space<vmem>> -> memref<1x128xf32, #tpu.memory_space<vmem>>
      %dma_start3A_96 = tpu.memref_squeeze %dma_start3A_95 : memref<1x128xf32, #tpu.memory_space<vmem>> -> memref<128xf32, #tpu.memory_space<vmem>>
      %dma_start3A_97 = tpu.memref_slice %arg12[%add3A_74] : memref<10240xf32, #tpu.memory_space<vmem_shared>> -> memref<128xf32, #tpu.memory_space<vmem_shared>>
      %dma_start3A_98 = tpu.memref_slice %arg12[%add3A_74] : memref<10240xf32, #tpu.memory_space<vmem_shared>> -> memref<128xf32, #tpu.memory_space<vmem_shared>>
      %dma_start3A_99 = arith.constant 0 : i32
      %dma_start3A_100 = tpu.memref_slice %arg9[%run_scoped3A_75, %dma_start3A_99] : memref<128x128xf32, #tpu.memory_space<vmem>> -> memref<1x128xf32, #tpu.memory_space<vmem>>
      %dma_start3A_101 = tpu.memref_squeeze %dma_start3A_100 : memref<1x128xf32, #tpu.memory_space<vmem>> -> memref<128xf32, #tpu.memory_space<vmem>>
      tpu.enqueue_dma source(%dma_start3A_101 : memref<128xf32, #tpu.memory_space<vmem>>) target(%dma_start3A_98 : memref<128xf32, #tpu.memory_space<vmem_shared>>) target_semaphore(%run_scoped3A_94 : memref<!tpu.dma_semaphore, #tpu.memory_space<semaphore_mem>>)
      %dma_wait3A_102 = arith.constant 0 : i32
      %dma_wait3A_103 = tpu.memref_slice %arg9[%run_scoped3A_75, %dma_wait3A_102] : memref<128x128xf32, #tpu.memory_space<vmem>> -> memref<1x128xf32, #tpu.memory_space<vmem>>
      %dma_wait3A_104 = tpu.memref_squeeze %dma_wait3A_103 : memref<1x128xf32, #tpu.memory_space<vmem>> -> memref<128xf32, #tpu.memory_space<vmem>>
      %dma_wait3A_105 = tpu.memref_slice %arg12[%add3A_74] : memref<10240xf32, #tpu.memory_space<vmem_shared>> -> memref<128xf32, #tpu.memory_space<vmem_shared>>
      %dma_wait3A_106 = tpu.memref_slice %arg12[%add3A_74] : memref<10240xf32, #tpu.memory_space<vmem_shared>> -> memref<128xf32, #tpu.memory_space<vmem_shared>>
      %dma_wait3A_107 = arith.constant 0 : i32
      %dma_wait3A_108 = tpu.memref_slice %arg9[%run_scoped3A_75, %dma_wait3A_107] : memref<128x128xf32, #tpu.memory_space<vmem>> -> memref<1x128xf32, #tpu.memory_space<vmem>>
      %dma_wait3A_109 = tpu.memref_squeeze %dma_wait3A_108 : memref<1x128xf32, #tpu.memory_space<vmem>> -> memref<128xf32, #tpu.memory_space<vmem>>
      tpu.wait_dma2 semaphore(%run_scoped3A_94 : memref<!tpu.dma_semaphore, #tpu.memory_space<semaphore_mem>>) src(%dma_wait3A_109 : memref<128xf32, #tpu.memory_space<vmem>>) dst(%dma_wait3A_106 : memref<128xf32, #tpu.memory_space<vmem_shared>>)
      tpu.yield
    }) : () -> ()
    %add3A_76 = arith.constant 512 : i32
    %add3A_77 = arith.addi %mul3A_54, %add3A_76 : i32
    %run_scoped3A_78 = arith.constant 0 : i32
    "tpu.region"() ({
      %run_scoped3A_94 = tpu.sem_alloc : memref<!tpu.dma_semaphore, #tpu.memory_space<semaphore_mem>>
      %dma_start3A = arith.constant 0 : i32
      %dma_start3A_95 = tpu.memref_slice %arg9[%run_scoped3A_78, %dma_start3A] : memref<128x128xf32, #tpu.memory_space<vmem>> -> memref<1x128xf32, #tpu.memory_space<vmem>>
      %dma_start3A_96 = tpu.memref_squeeze %dma_start3A_95 : memref<1x128xf32, #tpu.memory_space<vmem>> -> memref<128xf32, #tpu.memory_space<vmem>>
      %dma_start3A_97 = tpu.memref_slice %arg12[%add3A_77] : memref<10240xf32, #tpu.memory_space<vmem_shared>> -> memref<128xf32, #tpu.memory_space<vmem_shared>>
      %dma_start3A_98 = tpu.memref_slice %arg12[%add3A_77] : memref<10240xf32, #tpu.memory_space<vmem_shared>> -> memref<128xf32, #tpu.memory_space<vmem_shared>>
      %dma_start3A_99 = arith.constant 0 : i32
      %dma_start3A_100 = tpu.memref_slice %arg9[%run_scoped3A_78, %dma_start3A_99] : memref<128x128xf32, #tpu.memory_space<vmem>> -> memref<1x128xf32, #tpu.memory_space<vmem>>
      %dma_start3A_101 = tpu.memref_squeeze %dma_start3A_100 : memref<1x128xf32, #tpu.memory_space<vmem>> -> memref<128xf32, #tpu.memory_space<vmem>>
      tpu.enqueue_dma source(%dma_start3A_101 : memref<128xf32, #tpu.memory_space<vmem>>) target(%dma_start3A_98 : memref<128xf32, #tpu.memory_space<vmem_shared>>) target_semaphore(%run_scoped3A_94 : memref<!tpu.dma_semaphore, #tpu.memory_space<semaphore_mem>>)
      %dma_wait3A_102 = arith.constant 0 : i32
      %dma_wait3A_103 = tpu.memref_slice %arg9[%run_scoped3A_78, %dma_wait3A_102] : memref<128x128xf32, #tpu.memory_space<vmem>> -> memref<1x128xf32, #tpu.memory_space<vmem>>
      %dma_wait3A_104 = tpu.memref_squeeze %dma_wait3A_103 : memref<1x128xf32, #tpu.memory_space<vmem>> -> memref<128xf32, #tpu.memory_space<vmem>>
      %dma_wait3A_105 = tpu.memref_slice %arg12[%add3A_77] : memref<10240xf32, #tpu.memory_space<vmem_shared>> -> memref<128xf32, #tpu.memory_space<vmem_shared>>
      %dma_wait3A_106 = tpu.memref_slice %arg12[%add3A_77] : memref<10240xf32, #tpu.memory_space<vmem_shared>> -> memref<128xf32, #tpu.memory_space<vmem_shared>>
      %dma_wait3A_107 = arith.constant 0 : i32
      %dma_wait3A_108 = tpu.memref_slice %arg9[%run_scoped3A_78, %dma_wait3A_107] : memref<128x128xf32, #tpu.memory_space<vmem>> -> memref<1x128xf32, #tpu.memory_space<vmem>>
      %dma_wait3A_109 = tpu.memref_squeeze %dma_wait3A_108 : memref<1x128xf32, #tpu.memory_space<vmem>> -> memref<128xf32, #tpu.memory_space<vmem>>
      tpu.wait_dma2 semaphore(%run_scoped3A_94 : memref<!tpu.dma_semaphore, #tpu.memory_space<semaphore_mem>>) src(%dma_wait3A_109 : memref<128xf32, #tpu.memory_space<vmem>>) dst(%dma_wait3A_106 : memref<128xf32, #tpu.memory_space<vmem_shared>>)
      tpu.yield
    }) : () -> ()
    %barrier3A = arith.constant 0 : index
    tpu.barrier barrier_id(%barrier3A)
    "tpu.region"() ({
      %run_scoped3A_94 = tpu.sem_alloc : memref<!tpu.dma_semaphore, #tpu.memory_space<semaphore_mem>>
      %dma_start3A = arith.constant 0 : i32
      %dma_start3A_95 = arith.constant 0 : i32
      %dma_start3A_96 = tpu.memref_slice %arg3[%add3A, %dma_start3A, %dma_start3A_95] : memref<32x79x128xi32, #tpu.memory_space<hbm>> -> memref<1x79x128xi32, #tpu.memory_space<hbm>>
      %dma_start3A_97 = tpu.memref_squeeze %dma_start3A_96 : memref<1x79x128xi32, #tpu.memory_space<hbm>> -> memref<79x128xi32, #tpu.memory_space<hbm>>
      %dma_start3A_98 = arith.constant 0 : i32
      %dma_start3A_99 = arith.constant 0 : i32
      %dma_start3A_100 = tpu.memref_slice %arg3[%add3A, %dma_start3A_98, %dma_start3A_99] : memref<32x79x128xi32, #tpu.memory_space<hbm>> -> memref<1x79x128xi32, #tpu.memory_space<hbm>>
      %dma_start3A_101 = tpu.memref_squeeze %dma_start3A_100 : memref<1x79x128xi32, #tpu.memory_space<hbm>> -> memref<79x128xi32, #tpu.memory_space<hbm>>
      tpu.enqueue_dma source(%dma_start3A_101 : memref<79x128xi32, #tpu.memory_space<hbm>>) target(%arg7 : memref<79x128xi32, #tpu.memory_space<vmem>>) target_semaphore(%run_scoped3A_94 : memref<!tpu.dma_semaphore, #tpu.memory_space<semaphore_mem>>)
      %dma_wait3A_102 = arith.constant 0 : i32
      %dma_wait3A_103 = arith.constant 0 : i32
      %dma_wait3A_104 = tpu.memref_slice %arg3[%add3A, %dma_wait3A_102, %dma_wait3A_103] : memref<32x79x128xi32, #tpu.memory_space<hbm>> -> memref<1x79x128xi32, #tpu.memory_space<hbm>>
      %dma_wait3A_105 = tpu.memref_squeeze %dma_wait3A_104 : memref<1x79x128xi32, #tpu.memory_space<hbm>> -> memref<79x128xi32, #tpu.memory_space<hbm>>
      %dma_wait3A_106 = arith.constant 0 : i32
      %dma_wait3A_107 = arith.constant 0 : i32
      %dma_wait3A_108 = tpu.memref_slice %arg3[%add3A, %dma_wait3A_106, %dma_wait3A_107] : memref<32x79x128xi32, #tpu.memory_space<hbm>> -> memref<1x79x128xi32, #tpu.memory_space<hbm>>
      %dma_wait3A_109 = tpu.memref_squeeze %dma_wait3A_108 : memref<1x79x128xi32, #tpu.memory_space<hbm>> -> memref<79x128xi32, #tpu.memory_space<hbm>>
      tpu.wait_dma2 semaphore(%run_scoped3A_94 : memref<!tpu.dma_semaphore, #tpu.memory_space<semaphore_mem>>) src(%dma_wait3A_109 : memref<79x128xi32, #tpu.memory_space<hbm>>) dst(%arg7 : memref<79x128xi32, #tpu.memory_space<vmem>>)
      tpu.yield
    }) : () -> ()
    "tpu.region"() ({
      %run_scoped3A_94 = tpu.sem_alloc : memref<!tpu.dma_semaphore, #tpu.memory_space<semaphore_mem>>
      %dma_start3A = arith.constant 0 : i32
      %dma_start3A_95 = arith.constant 0 : i32
      %dma_start3A_96 = tpu.memref_slice %arg4[%add3A, %dma_start3A, %dma_start3A_95] : memref<32x79x128xi32, #tpu.memory_space<hbm>> -> memref<1x79x128xi32, #tpu.memory_space<hbm>>
      %dma_start3A_97 = tpu.memref_squeeze %dma_start3A_96 : memref<1x79x128xi32, #tpu.memory_space<hbm>> -> memref<79x128xi32, #tpu.memory_space<hbm>>
      %dma_start3A_98 = arith.constant 0 : i32
      %dma_start3A_99 = arith.constant 0 : i32
      %dma_start3A_100 = tpu.memref_slice %arg4[%add3A, %dma_start3A_98, %dma_start3A_99] : memref<32x79x128xi32, #tpu.memory_space<hbm>> -> memref<1x79x128xi32, #tpu.memory_space<hbm>>
      %dma_start3A_101 = tpu.memref_squeeze %dma_start3A_100 : memref<1x79x128xi32, #tpu.memory_space<hbm>> -> memref<79x128xi32, #tpu.memory_space<hbm>>
      tpu.enqueue_dma source(%dma_start3A_101 : memref<79x128xi32, #tpu.memory_space<hbm>>) target(%arg8 : memref<79x128xi32, #tpu.memory_space<vmem>>) target_semaphore(%run_scoped3A_94 : memref<!tpu.dma_semaphore, #tpu.memory_space<semaphore_mem>>)
      %dma_wait3A_102 = arith.constant 0 : i32
      %dma_wait3A_103 = arith.constant 0 : i32
      %dma_wait3A_104 = tpu.memref_slice %arg4[%add3A, %dma_wait3A_102, %dma_wait3A_103] : memref<32x79x128xi32, #tpu.memory_space<hbm>> -> memref<1x79x128xi32, #tpu.memory_space<hbm>>
      %dma_wait3A_105 = tpu.memref_squeeze %dma_wait3A_104 : memref<1x79x128xi32, #tpu.memory_space<hbm>> -> memref<79x128xi32, #tpu.memory_space<hbm>>
      %dma_wait3A_106 = arith.constant 0 : i32
      %dma_wait3A_107 = arith.constant 0 : i32
      %dma_wait3A_108 = tpu.memref_slice %arg4[%add3A, %dma_wait3A_106, %dma_wait3A_107] : memref<32x79x128xi32, #tpu.memory_space<hbm>> -> memref<1x79x128xi32, #tpu.memory_space<hbm>>
      %dma_wait3A_109 = tpu.memref_squeeze %dma_wait3A_108 : memref<1x79x128xi32, #tpu.memory_space<hbm>> -> memref<79x128xi32, #tpu.memory_space<hbm>>
      tpu.wait_dma2 semaphore(%run_scoped3A_94 : memref<!tpu.dma_semaphore, #tpu.memory_space<semaphore_mem>>) src(%dma_wait3A_109 : memref<79x128xi32, #tpu.memory_space<hbm>>) dst(%arg8 : memref<79x128xi32, #tpu.memory_space<vmem>>)
      tpu.yield
    }) : () -> ()
    %scan3A_79 = arith.constant 0 : i32
    %scan3A_80 = arith.constant 0 : i32
    %scan3A_81 = arith.constant 79 : i32
    %scan3A_82 = arith.addi %scan3A_80, %scan3A_81 : i32
    %scan3A_83 = arith.constant 1 : i32
    %scan3A_84 = scf.for %scan3A_94 = %scan3A_80 to %scan3A_82 step %scan3A_83 iter_args(%scan3A_95 = %scan3A_79) -> (i32)  : i32 {
      %dma_start3A = arith.constant 0 : i32
      %dma_start3A_96 = tpu.memref_slice %arg8[%scan3A_94, %dma_start3A] : memref<79x128xi32, #tpu.memory_space<vmem>> -> memref<1x128xi32, #tpu.memory_space<vmem>>
      %dma_start3A_97 = tpu.memref_squeeze %dma_start3A_96 : memref<1x128xi32, #tpu.memory_space<vmem>> -> memref<128xi32, #tpu.memory_space<vmem>>
      %dma_start3A_98 = arith.constant 0 : i32
      %dma_start3A_99 = arith.constant 0 : i32
      %dma_start3A_100 = tpu.memref_slice %arg2[%dma_start3A_98, %dma_start3A_99] : memref<10240x128xf32, #tpu.memory_space<hbm>> -> memref<10240x128xf32, #tpu.memory_space<hbm>>
      tpu.enqueue_indirect_dma source(%dma_start3A_100 : memref<10240x128xf32, #tpu.memory_space<hbm>>) target(%arg9 : memref<128x128xf32, #tpu.memory_space<vmem>>) offsets(%dma_start3A_97 : memref<128xi32, #tpu.memory_space<vmem>>) semaphore(%arg13 : memref<!tpu.dma_semaphore, #tpu.memory_space<semaphore_mem>>)
      %dma_wait3A_101 = arith.constant 0 : i32
      %dma_wait3A_102 = tpu.memref_slice %arg8[%scan3A_94, %dma_wait3A_101] : memref<79x128xi32, #tpu.memory_space<vmem>> -> memref<1x128xi32, #tpu.memory_space<vmem>>
      %dma_wait3A_103 = tpu.memref_squeeze %dma_wait3A_102 : memref<1x128xi32, #tpu.memory_space<vmem>> -> memref<128xi32, #tpu.memory_space<vmem>>
      %dma_wait3A_104 = arith.constant 0 : i32
      %dma_wait3A_105 = arith.constant 0 : i32
      %dma_wait3A_106 = tpu.memref_slice %arg2[%dma_wait3A_104, %dma_wait3A_105] : memref<10240x128xf32, #tpu.memory_space<hbm>> -> memref<10240x128xf32, #tpu.memory_space<hbm>>
      tpu.wait_indirect_dma semaphore(%arg13 : memref<!tpu.dma_semaphore, #tpu.memory_space<semaphore_mem>>) src(%dma_wait3A_106 : memref<10240x128xf32, #tpu.memory_space<hbm>>) dst(%arg9 : memref<128x128xf32, #tpu.memory_space<vmem>>)
      %dma_start3A_107 = arith.constant 0 : i32
      %dma_start3A_108 = tpu.memref_slice %arg7[%scan3A_94, %dma_start3A_107] : memref<79x128xi32, #tpu.memory_space<vmem>> -> memref<1x128xi32, #tpu.memory_space<vmem>>
      %dma_start3A_109 = tpu.memref_squeeze %dma_start3A_108 : memref<1x128xi32, #tpu.memory_space<vmem>> -> memref<128xi32, #tpu.memory_space<vmem>>
      %dma_start3A_110 = arith.constant 0 : i32
      %dma_start3A_111 = tpu.memref_slice %arg12[%dma_start3A_110] : memref<10240xf32, #tpu.memory_space<vmem_shared>> -> memref<10240xf32, #tpu.memory_space<vmem_shared>>
      tpu.enqueue_indirect_dma source(%arg10 : memref<128xf32, #tpu.memory_space<vmem>>) target(%dma_start3A_111 : memref<10240xf32, #tpu.memory_space<vmem_shared>>) offsets(%dma_start3A_109 : memref<128xi32, #tpu.memory_space<vmem>>) semaphore(%arg14 : memref<!tpu.dma_semaphore, #tpu.memory_space<semaphore_mem>>) {add = true}
      "tpu.region"() ({
        %run_scoped3A_113 = tpu.sem_alloc : memref<!tpu.dma_semaphore, #tpu.memory_space<semaphore_mem>>
        %dma_start3A_114 = arith.constant 0 : i32
        %dma_start3A_115 = tpu.memref_slice %arg7[%scan3A_94, %dma_start3A_114] : memref<79x128xi32, #tpu.memory_space<vmem>> -> memref<1x128xi32, #tpu.memory_space<vmem>>
        %dma_start3A_116 = tpu.memref_squeeze %dma_start3A_115 : memref<1x128xi32, #tpu.memory_space<vmem>> -> memref<128xi32, #tpu.memory_space<vmem>>
        %dma_start3A_117 = arith.constant 0 : i32
        %dma_start3A_118 = arith.constant 0 : i32
        %dma_start3A_119 = tpu.memref_slice %arg11[%dma_start3A_117, %dma_start3A_118] : memref<10240x128xf32, #tpu.memory_space<vmem_shared>> -> memref<10240x128xf32, #tpu.memory_space<vmem_shared>>
        tpu.enqueue_indirect_dma source(%arg9 : memref<128x128xf32, #tpu.memory_space<vmem>>) target(%dma_start3A_119 : memref<10240x128xf32, #tpu.memory_space<vmem_shared>>) offsets(%dma_start3A_116 : memref<128xi32, #tpu.memory_space<vmem>>) semaphore(%run_scoped3A_113 : memref<!tpu.dma_semaphore, #tpu.memory_space<semaphore_mem>>) {add = true}
        %dma_wait3A_120 = arith.constant 0 : i32
        %dma_wait3A_121 = tpu.memref_slice %arg7[%scan3A_94, %dma_wait3A_120] : memref<79x128xi32, #tpu.memory_space<vmem>> -> memref<1x128xi32, #tpu.memory_space<vmem>>
        %dma_wait3A_122 = tpu.memref_squeeze %dma_wait3A_121 : memref<1x128xi32, #tpu.memory_space<vmem>> -> memref<128xi32, #tpu.memory_space<vmem>>
        %dma_wait3A_123 = arith.constant 0 : i32
        %dma_wait3A_124 = arith.constant 0 : i32
        %dma_wait3A_125 = tpu.memref_slice %arg11[%dma_wait3A_123, %dma_wait3A_124] : memref<10240x128xf32, #tpu.memory_space<vmem_shared>> -> memref<10240x128xf32, #tpu.memory_space<vmem_shared>>
        tpu.wait_indirect_dma semaphore(%run_scoped3A_113 : memref<!tpu.dma_semaphore, #tpu.memory_space<semaphore_mem>>) src(%arg9 : memref<128x128xf32, #tpu.memory_space<vmem>>) dst(%dma_wait3A_125 : memref<10240x128xf32, #tpu.memory_space<vmem_shared>>)
        tpu.yield
      }) : () -> ()
      %scan3A_112 = arith.constant 0 : i32
      scf.yield %scan3A_112 : i32
    }
    %scan3A_85 = arith.constant 79 : i32
    %dma_wait3A = arith.constant 0 : i32
    %dma_wait3A_86 = arith.constant 0 : i32
    %dma_wait3A_87 = tpu.memref_slice %arg3[%add3A, %dma_wait3A, %dma_wait3A_86] : memref<32x79x128xi32, #tpu.memory_space<hbm>> -> memref<1x79x128xi32, #tpu.memory_space<hbm>>
    %dma_wait3A_88 = tpu.memref_squeeze %dma_wait3A_87 : memref<1x79x128xi32, #tpu.memory_space<hbm>> -> memref<79x128xi32, #tpu.memory_space<hbm>>
    %dma_wait3A_89 = arith.constant 0 : i32
    %dma_wait3A_90 = arith.constant 0 : i32
    %dma_wait3A_91 = tpu.memref_slice %arg3[%add3A, %dma_wait3A_89, %dma_wait3A_90] : memref<32x79x128xi32, #tpu.memory_space<hbm>> -> memref<1x79x128xi32, #tpu.memory_space<hbm>>
    %dma_wait3A_92 = tpu.memref_squeeze %dma_wait3A_91 : memref<1x79x128xi32, #tpu.memory_space<hbm>> -> memref<79x128xi32, #tpu.memory_space<hbm>>
    tpu.wait_dma2 semaphore(%arg14 : memref<!tpu.dma_semaphore, #tpu.memory_space<semaphore_mem>>) src(%dma_wait3A_92 : memref<79x128xi32, #tpu.memory_space<hbm>>) dst(%arg7 : memref<79x128xi32, #tpu.memory_space<vmem>>)
    %barrier3A_93 = arith.constant 0 : index
    tpu.barrier barrier_id(%barrier3A_93)
    "tpu.region"() ({
      %run_scoped3A_94 = tpu.sem_alloc : memref<!tpu.dma_semaphore, #tpu.memory_space<semaphore_mem>>
      %dma_start3A = arith.constant 0 : i32
      %dma_start3A_95 = tpu.memref_slice %arg5[%arg0, %mul3A_54, %dma_start3A] : memref<2x10240x128xf32, #tpu.memory_space<hbm>> -> memref<1x640x128xf32, #tpu.memory_space<hbm>>
      %dma_start3A_96 = tpu.memref_squeeze %dma_start3A_95 : memref<1x640x128xf32, #tpu.memory_space<hbm>> -> memref<640x128xf32, #tpu.memory_space<hbm>>
      %dma_start3A_97 = arith.constant 0 : i32
      %dma_start3A_98 = tpu.memref_slice %arg11[%mul3A_54, %dma_start3A_97] : memref<10240x128xf32, #tpu.memory_space<vmem_shared>> -> memref<640x128xf32, #tpu.memory_space<vmem_shared>>
      tpu.enqueue_dma source(%dma_start3A_98 : memref<640x128xf32, #tpu.memory_space<vmem_shared>>) target(%dma_start3A_96 : memref<640x128xf32, #tpu.memory_space<hbm>>) target_semaphore(%run_scoped3A_94 : memref<!tpu.dma_semaphore, #tpu.memory_space<semaphore_mem>>)
      %dma_wait3A_99 = arith.constant 0 : i32
      %dma_wait3A_100 = tpu.memref_slice %arg5[%arg0, %mul3A_54, %dma_wait3A_99] : memref<2x10240x128xf32, #tpu.memory_space<hbm>> -> memref<1x640x128xf32, #tpu.memory_space<hbm>>
      %dma_wait3A_101 = tpu.memref_squeeze %dma_wait3A_100 : memref<1x640x128xf32, #tpu.memory_space<hbm>> -> memref<640x128xf32, #tpu.memory_space<hbm>>
      %dma_wait3A_102 = arith.constant 0 : i32
      %dma_wait3A_103 = tpu.memref_slice %arg11[%mul3A_54, %dma_wait3A_102] : memref<10240x128xf32, #tpu.memory_space<vmem_shared>> -> memref<640x128xf32, #tpu.memory_space<vmem_shared>>
      tpu.wait_dma2 semaphore(%run_scoped3A_94 : memref<!tpu.dma_semaphore, #tpu.memory_space<semaphore_mem>>) src(%dma_wait3A_103 : memref<640x128xf32, #tpu.memory_space<vmem_shared>>) dst(%dma_wait3A_101 : memref<640x128xf32, #tpu.memory_space<hbm>>)
      tpu.yield
    }) : () -> ()
    "tpu.region"() ({
      %run_scoped3A_94 = tpu.sem_alloc : memref<!tpu.dma_semaphore, #tpu.memory_space<semaphore_mem>>
      %dma_start3A = tpu.memref_slice %arg6[%arg0, %mul3A_54] : memref<2x10240xf32, #tpu.memory_space<hbm>> -> memref<1x640xf32, #tpu.memory_space<hbm>>
      %dma_start3A_95 = tpu.memref_squeeze %dma_start3A : memref<1x640xf32, #tpu.memory_space<hbm>> -> memref<640xf32, #tpu.memory_space<hbm>>
      %dma_start3A_96 = tpu.memref_slice %arg12[%mul3A_54] : memref<10240xf32, #tpu.memory_space<vmem_shared>> -> memref<640xf32, #tpu.memory_space<vmem_shared>>
      tpu.enqueue_dma source(%dma_start3A_96 : memref<640xf32, #tpu.memory_space<vmem_shared>>) target(%dma_start3A_95 : memref<640xf32, #tpu.memory_space<hbm>>) target_semaphore(%run_scoped3A_94 : memref<!tpu.dma_semaphore, #tpu.memory_space<semaphore_mem>>)
      %dma_wait3A_97 = tpu.memref_slice %arg6[%arg0, %mul3A_54] : memref<2x10240xf32, #tpu.memory_space<hbm>> -> memref<1x640xf32, #tpu.memory_space<hbm>>
      %dma_wait3A_98 = tpu.memref_squeeze %dma_wait3A_97 : memref<1x640xf32, #tpu.memory_space<hbm>> -> memref<640xf32, #tpu.memory_space<hbm>>
      %dma_wait3A_99 = tpu.memref_slice %arg12[%mul3A_54] : memref<10240xf32, #tpu.memory_space<vmem_shared>> -> memref<640xf32, #tpu.memory_space<vmem_shared>>
      tpu.wait_dma2 semaphore(%run_scoped3A_94 : memref<!tpu.dma_semaphore, #tpu.memory_space<semaphore_mem>>) src(%dma_wait3A_99 : memref<640xf32, #tpu.memory_space<vmem_shared>>) dst(%dma_wait3A_98 : memref<640xf32, #tpu.memory_space<hbm>>)
      tpu.yield
    }) : () -> ()
    return
  }
}

module attributes {stable_mosaic.version = 14 : i64} {
  func.func @_node_msg_body(%arg0: i32, %arg1: memref<1024x128xf32, #tpu.memory_space<vmem>>, %arg2: memref<128x128xf32, #tpu.memory_space<vmem>>, %arg3: memref<1x128xf32, #tpu.memory_space<vmem>>, %arg4: memref<128x128xf32, #tpu.memory_space<vmem>>, %arg5: memref<1x128xf32, #tpu.memory_space<vmem>>, %arg6: memref<1024x128xf32, #tpu.memory_space<vmem>>) attributes {dimension_semantics = [#tpu.dimension_semantics<arbitrary>], iteration_bounds = array<i64: 10>, scalar_prefetch = 0 : i64, scratch_operands = 0 : i64, tpu.core_type = #tpu.core_type<tc>, window_params = [{transform_indices = @transform_0, window_bounds = array<i64: 1024, 128>}, {pipeline_mode = #tpu.pipeline_mode<synchronous>, transform_indices = @transform_1, window_bounds = array<i64: 128, 128>}, {pipeline_mode = #tpu.pipeline_mode<synchronous>, transform_indices = @transform_2, window_bounds = array<i64: 1, 128>}, {pipeline_mode = #tpu.pipeline_mode<synchronous>, transform_indices = @transform_3, window_bounds = array<i64: 128, 128>}, {pipeline_mode = #tpu.pipeline_mode<synchronous>, transform_indices = @transform_4, window_bounds = array<i64: 1, 128>}, {transform_indices = @transform_5, window_bounds = array<i64: 1024, 128>}]} {
    %get3A = arith.constant 0 : index
    %get3A_0 = arith.constant 0 : index
    %get3A_1 = vector.load %arg1[%get3A, %get3A_0] : memref<1024x128xf32, #tpu.memory_space<vmem>>, vector<1024x128xf32>
    %mul3A = arith.mulf %get3A_1, %get3A_1 : vector<1024x128xf32>
    %reduce_sum3A = arith.constant dense<0.000000e+00> : vector<1024xf32>
    %reduce_sum3A_2 = vector.multi_reduction <add>, %mul3A, %reduce_sum3A [1] : vector<1024x128xf32> to vector<1024xf32>
    %broadcast_in_dim3A = vector.shape_cast %reduce_sum3A_2 : vector<1024xf32> to vector<1024x1xf32>
    %sqrt3A = math.sqrt %broadcast_in_dim3A : vector<1024x1xf32>
    %max3A = arith.constant 1.000000e-15 : f32
    %max3A_3 = vector.broadcast %max3A : f32 to vector<1024x1xf32>
    %max3A_4 = arith.maximumf %sqrt3A, %max3A_3 : vector<1024x1xf32>
    %min3A = arith.constant 0.99999988 : f32
    %min3A_5 = vector.broadcast %min3A : f32 to vector<1024x1xf32>
    %min3A_6 = arith.minimumf %max3A_4, %min3A_5 : vector<1024x1xf32>
    %add3A = arith.constant 1.000000e+00 : f32
    %add3A_7 = vector.broadcast %add3A : f32 to vector<1024x1xf32>
    %add3A_8 = arith.addf %add3A_7, %min3A_6 : vector<1024x1xf32>
    %sub3A = arith.constant 1.000000e+00 : f32
    %sub3A_9 = vector.broadcast %sub3A : f32 to vector<1024x1xf32>
    %sub3A_10 = arith.subf %sub3A_9, %min3A_6 : vector<1024x1xf32>
    %div3A = arith.divf %add3A_8, %sub3A_10 : vector<1024x1xf32>
    %log3A = math.log %div3A : vector<1024x1xf32>
    %mul3A_11 = arith.constant 5.000000e-01 : f32
    %mul3A_12 = vector.broadcast %mul3A_11 : f32 to vector<1024x1xf32>
    %mul3A_13 = arith.mulf %mul3A_12, %log3A : vector<1024x1xf32>
    %div3A_14 = arith.divf %mul3A_13, %max3A_4 : vector<1024x1xf32>
    %mul3A_15 = vector.broadcast %div3A_14 : vector<1024x1xf32> to vector<1024x128xf32>
    %mul3A_16 = arith.mulf %get3A_1, %mul3A_15 : vector<1024x128xf32>
    %get3A_17 = arith.constant 0 : index
    %get3A_18 = arith.constant 0 : index
    %get3A_19 = vector.load %arg2[%get3A_17, %get3A_18] : memref<128x128xf32, #tpu.memory_space<vmem>>, vector<128x128xf32>
    %dot_general3A = arith.constant dense<0.000000e+00> : vector<1024x128xf32>
    %dot_general3A_20 = tpu.matmul %mul3A_16, %get3A_19, %dot_general3A {dimension_numbers = #tpu.dot_dimension_numbers<[1], [0], [0], [1], [0, 0, 1, 1], [], []>, transpose_lhs_hint = false} : vector<1024x128xf32>, vector<128x128xf32>, vector<1024x128xf32> -> vector<1024x128xf32>
    %get3A_21 = arith.constant 0 : index
    %get3A_22 = arith.constant 0 : index
    %get3A_23 = vector.load %arg3[%get3A_21, %get3A_22] : memref<1x128xf32, #tpu.memory_space<vmem>>, vector<1x128xf32>
    %add3A_24 = vector.broadcast %get3A_23 : vector<1x128xf32> to vector<1024x128xf32>
    %add3A_25 = arith.addf %dot_general3A_20, %add3A_24 : vector<1024x128xf32>
    %max3A_26 = arith.constant 0.000000e+00 : f32
    %max3A_27 = vector.broadcast %max3A_26 : f32 to vector<1024x128xf32>
    %max3A_28 = arith.maximumf %add3A_25, %max3A_27 : vector<1024x128xf32>
    %get3A_29 = arith.constant 0 : index
    %get3A_30 = arith.constant 0 : index
    %get3A_31 = vector.load %arg4[%get3A_29, %get3A_30] : memref<128x128xf32, #tpu.memory_space<vmem>>, vector<128x128xf32>
    %dot_general3A_32 = arith.constant dense<0.000000e+00> : vector<1024x128xf32>
    %dot_general3A_33 = tpu.matmul %max3A_28, %get3A_31, %dot_general3A_32 {dimension_numbers = #tpu.dot_dimension_numbers<[1], [0], [0], [1], [0, 0, 1, 1], [], []>, transpose_lhs_hint = false} : vector<1024x128xf32>, vector<128x128xf32>, vector<1024x128xf32> -> vector<1024x128xf32>
    %get3A_34 = arith.constant 0 : index
    %get3A_35 = arith.constant 0 : index
    %get3A_36 = vector.load %arg5[%get3A_34, %get3A_35] : memref<1x128xf32, #tpu.memory_space<vmem>>, vector<1x128xf32>
    %add3A_37 = vector.broadcast %get3A_36 : vector<1x128xf32> to vector<1024x128xf32>
    %add3A_38 = arith.addf %dot_general3A_33, %add3A_37 : vector<1024x128xf32>
    %swap3A = arith.constant 0 : index
    %swap3A_39 = arith.constant 0 : index
    %swap3A_40 = vector.load %arg6[%swap3A, %swap3A_39] : memref<1024x128xf32, #tpu.memory_space<vmem>>, vector<1024x128xf32>
    tpu.vector_store %arg6[%swap3A, %swap3A_39], %add3A_38 {strides = array<i32>} : memref<1024x128xf32, #tpu.memory_space<vmem>>, vector<1024x128xf32>,
    return
  }
  func.func @transform_0(%arg0: i32) -> (i32, i32) {
    %c0_i32 = arith.constant 0 : i32
    %c0_i32_0 = arith.constant 0 : i32
    return %arg0, %c0_i32 : i32, i32
  }
  func.func @transform_1(%arg0: i32) -> (i32, i32) {
    %c0_i32 = arith.constant 0 : i32
    %c0_i32_0 = arith.constant 0 : i32
    %c0_i32_1 = arith.constant 0 : i32
    return %c0_i32, %c0_i32_0 : i32, i32
  }
  func.func @transform_2(%arg0: i32) -> (i32, i32) {
    %c0_i32 = arith.constant 0 : i32
    %c0_i32_0 = arith.constant 0 : i32
    %c0_i32_1 = arith.constant 0 : i32
    return %c0_i32, %c0_i32_0 : i32, i32
  }
  func.func @transform_3(%arg0: i32) -> (i32, i32) {
    %c0_i32 = arith.constant 0 : i32
    %c0_i32_0 = arith.constant 0 : i32
    %c0_i32_1 = arith.constant 0 : i32
    return %c0_i32, %c0_i32_0 : i32, i32
  }
  func.func @transform_4(%arg0: i32) -> (i32, i32) {
    %c0_i32 = arith.constant 0 : i32
    %c0_i32_0 = arith.constant 0 : i32
    %c0_i32_1 = arith.constant 0 : i32
    return %c0_i32, %c0_i32_0 : i32, i32
  }
  func.func @transform_5(%arg0: i32) -> (i32, i32) {
    %c0_i32 = arith.constant 0 : i32
    %c0_i32_0 = arith.constant 0 : i32
    return %arg0, %c0_i32 : i32, i32
  }
}

module attributes {stable_mosaic.version = 14 : i64} {
  func.func @_update_body(%arg0: i32, %arg1: memref<2x1024x128xf32, #tpu.memory_space<vmem>>, %arg2: memref<2x8x128xf32, #tpu.memory_space<vmem>>, %arg3: memref<128x128xf32, #tpu.memory_space<vmem>>, %arg4: memref<1x128xf32, #tpu.memory_space<vmem>>, %arg5: memref<128x128xf32, #tpu.memory_space<vmem>>, %arg6: memref<1x128xf32, #tpu.memory_space<vmem>>, %arg7: memref<1024x128xf32, #tpu.memory_space<vmem>>) attributes {dimension_semantics = [#tpu.dimension_semantics<arbitrary>], iteration_bounds = array<i64: 10>, scalar_prefetch = 0 : i64, scratch_operands = 0 : i64, tpu.core_type = #tpu.core_type<tc>, window_params = [{transform_indices = @transform_0, window_bounds = array<i64: 2, 1024, 128>}, {transform_indices = @transform_1, window_bounds = array<i64: 2, 8, 128>}, {pipeline_mode = #tpu.pipeline_mode<synchronous>, transform_indices = @transform_2, window_bounds = array<i64: 128, 128>}, {pipeline_mode = #tpu.pipeline_mode<synchronous>, transform_indices = @transform_3, window_bounds = array<i64: 1, 128>}, {pipeline_mode = #tpu.pipeline_mode<synchronous>, transform_indices = @transform_4, window_bounds = array<i64: 128, 128>}, {pipeline_mode = #tpu.pipeline_mode<synchronous>, transform_indices = @transform_5, window_bounds = array<i64: 1, 128>}, {transform_indices = @transform_6, window_bounds = array<i64: 1024, 128>}]} {
    %get3A = arith.constant 0 : index
    %get3A_0 = arith.constant 0 : index
    %get3A_1 = arith.constant 0 : index
    %get3A_2 = vector.load %arg1[%get3A, %get3A_0, %get3A_1] : memref<2x1024x128xf32, #tpu.memory_space<vmem>>, vector<2x1024x128xf32>
    %slice3A = vector.extract_strided_slice %get3A_2 {offsets = [0, 0, 0], sizes = [1, 1024, 128], strides = [1, 1, 1]} : vector<2x1024x128xf32> to vector<1x1024x128xf32>
    %squeeze3A = vector.shape_cast %slice3A : vector<1x1024x128xf32> to vector<1024x128xf32>
    %slice3A_3 = vector.extract_strided_slice %get3A_2 {offsets = [1, 0, 0], sizes = [1, 1024, 128], strides = [1, 1, 1]} : vector<2x1024x128xf32> to vector<1x1024x128xf32>
    %squeeze3A_4 = vector.shape_cast %slice3A_3 : vector<1x1024x128xf32> to vector<1024x128xf32>
    %add3A = arith.addf %squeeze3A, %squeeze3A_4 : vector<1024x128xf32>
    %get3A_5 = arith.constant 0 : index
    %get3A_6 = arith.constant 0 : index
    %get3A_7 = arith.constant 0 : index
    %get3A_8 = vector.load %arg2[%get3A_5, %get3A_6, %get3A_7] : memref<2x8x128xf32, #tpu.memory_space<vmem>>, vector<2x8x128xf32>
    %reduce_sum3A = arith.constant dense<0.000000e+00> : vector<8x128xf32>
    %reduce_sum3A_9 = vector.multi_reduction <add>, %get3A_8, %reduce_sum3A [0] : vector<2x8x128xf32> to vector<8x128xf32>
    %add3A_10 = arith.constant 9.99999993E-9 : f32
    %add3A_11 = vector.broadcast %add3A_10 : f32 to vector<8x128xf32>
    %add3A_12 = arith.addf %reduce_sum3A_9, %add3A_11 : vector<8x128xf32>
    %div3A = arith.constant 1.000000e+00 : f32
    %div3A_13 = vector.broadcast %div3A : f32 to vector<8x128xf32>
    %div3A_14 = arith.divf %div3A_13, %add3A_12 : vector<8x128xf32>
    %reshape3A = vector.shape_cast %add3A : vector<1024x128xf32> to vector<8x128x128xf32>
    %broadcast_in_dim3A = vector.shape_cast %div3A_14 : vector<8x128xf32> to vector<8x128x1xf32>
    %mul3A = vector.broadcast %broadcast_in_dim3A : vector<8x128x1xf32> to vector<8x128x128xf32>
    %mul3A_15 = arith.mulf %reshape3A, %mul3A : vector<8x128x128xf32>
    %reshape3A_16 = vector.shape_cast %mul3A_15 : vector<8x128x128xf32> to vector<1024x128xf32>
    %get3A_17 = arith.constant 0 : index
    %get3A_18 = arith.constant 0 : index
    %get3A_19 = vector.load %arg3[%get3A_17, %get3A_18] : memref<128x128xf32, #tpu.memory_space<vmem>>, vector<128x128xf32>
    %dot_general3A = arith.constant dense<0.000000e+00> : vector<1024x128xf32>
    %dot_general3A_20 = tpu.matmul %reshape3A_16, %get3A_19, %dot_general3A {dimension_numbers = #tpu.dot_dimension_numbers<[1], [0], [0], [1], [0, 0, 1, 1], [], []>, transpose_lhs_hint = false} : vector<1024x128xf32>, vector<128x128xf32>, vector<1024x128xf32> -> vector<1024x128xf32>
    %get3A_21 = arith.constant 0 : index
    %get3A_22 = arith.constant 0 : index
    %get3A_23 = vector.load %arg4[%get3A_21, %get3A_22] : memref<1x128xf32, #tpu.memory_space<vmem>>, vector<1x128xf32>
    %add3A_24 = vector.broadcast %get3A_23 : vector<1x128xf32> to vector<1024x128xf32>
    %add3A_25 = arith.addf %dot_general3A_20, %add3A_24 : vector<1024x128xf32>
    %max3A = arith.constant 0.000000e+00 : f32
    %max3A_26 = vector.broadcast %max3A : f32 to vector<1024x128xf32>
    %max3A_27 = arith.maximumf %add3A_25, %max3A_26 : vector<1024x128xf32>
    %get3A_28 = arith.constant 0 : index
    %get3A_29 = arith.constant 0 : index
    %get3A_30 = vector.load %arg5[%get3A_28, %get3A_29] : memref<128x128xf32, #tpu.memory_space<vmem>>, vector<128x128xf32>
    %dot_general3A_31 = arith.constant dense<0.000000e+00> : vector<1024x128xf32>
    %dot_general3A_32 = tpu.matmul %max3A_27, %get3A_30, %dot_general3A_31 {dimension_numbers = #tpu.dot_dimension_numbers<[1], [0], [0], [1], [0, 0, 1, 1], [], []>, transpose_lhs_hint = false} : vector<1024x128xf32>, vector<128x128xf32>, vector<1024x128xf32> -> vector<1024x128xf32>
    %get3A_33 = arith.constant 0 : index
    %get3A_34 = arith.constant 0 : index
    %get3A_35 = vector.load %arg6[%get3A_33, %get3A_34] : memref<1x128xf32, #tpu.memory_space<vmem>>, vector<1x128xf32>
    %add3A_36 = vector.broadcast %get3A_35 : vector<1x128xf32> to vector<1024x128xf32>
    %add3A_37 = arith.addf %dot_general3A_32, %add3A_36 : vector<1024x128xf32>
    %mul3A_38 = arith.mulf %add3A_37, %add3A_37 : vector<1024x128xf32>
    %reduce_sum3A_39 = arith.constant dense<0.000000e+00> : vector<1024xf32>
    %reduce_sum3A_40 = vector.multi_reduction <add>, %mul3A_38, %reduce_sum3A_39 [1] : vector<1024x128xf32> to vector<1024xf32>
    %broadcast_in_dim3A_41 = vector.shape_cast %reduce_sum3A_40 : vector<1024xf32> to vector<1024x1xf32>
    %sqrt3A = math.sqrt %broadcast_in_dim3A_41 : vector<1024x1xf32>
    %max3A_42 = arith.constant 1.000000e-15 : f32
    %max3A_43 = vector.broadcast %max3A_42 : f32 to vector<1024x1xf32>
    %max3A_44 = arith.maximumf %sqrt3A, %max3A_43 : vector<1024x1xf32>
    %tanh3A = math.tanh %max3A_44 : vector<1024x1xf32>
    %div3A_45 = arith.divf %tanh3A, %max3A_44 : vector<1024x1xf32>
    %mul3A_46 = vector.broadcast %div3A_45 : vector<1024x1xf32> to vector<1024x128xf32>
    %mul3A_47 = arith.mulf %add3A_37, %mul3A_46 : vector<1024x128xf32>
    %swap3A = arith.constant 0 : index
    %swap3A_48 = arith.constant 0 : index
    %swap3A_49 = vector.load %arg7[%swap3A, %swap3A_48] : memref<1024x128xf32, #tpu.memory_space<vmem>>, vector<1024x128xf32>
    tpu.vector_store %arg7[%swap3A, %swap3A_48], %mul3A_47 {strides = array<i32>} : memref<1024x128xf32, #tpu.memory_space<vmem>>, vector<1024x128xf32>,
    return
  }
  func.func @transform_0(%arg0: i32) -> (i32, i32, i32) {
    %c0_i32 = arith.constant 0 : i32
    %c0_i32_0 = arith.constant 0 : i32
    %c0_i32_1 = arith.constant 0 : i32
    return %c0_i32, %arg0, %c0_i32_0 : i32, i32, i32
  }
  func.func @transform_1(%arg0: i32) -> (i32, i32, i32) {
    %c0_i32 = arith.constant 0 : i32
    %c0_i32_0 = arith.constant 0 : i32
    %c0_i32_1 = arith.constant 0 : i32
    return %c0_i32, %arg0, %c0_i32_0 : i32, i32, i32
  }
  func.func @transform_2(%arg0: i32) -> (i32, i32) {
    %c0_i32 = arith.constant 0 : i32
    %c0_i32_0 = arith.constant 0 : i32
    %c0_i32_1 = arith.constant 0 : i32
    return %c0_i32, %c0_i32_0 : i32, i32
  }
  func.func @transform_3(%arg0: i32) -> (i32, i32) {
    %c0_i32 = arith.constant 0 : i32
    %c0_i32_0 = arith.constant 0 : i32
    %c0_i32_1 = arith.constant 0 : i32
    return %c0_i32, %c0_i32_0 : i32, i32
  }
  func.func @transform_4(%arg0: i32) -> (i32, i32) {
    %c0_i32 = arith.constant 0 : i32
    %c0_i32_0 = arith.constant 0 : i32
    %c0_i32_1 = arith.constant 0 : i32
    return %c0_i32, %c0_i32_0 : i32, i32
  }
  func.func @transform_5(%arg0: i32) -> (i32, i32) {
    %c0_i32 = arith.constant 0 : i32
    %c0_i32_0 = arith.constant 0 : i32
    %c0_i32_1 = arith.constant 0 : i32
    return %c0_i32, %c0_i32_0 : i32, i32
  }
  func.func @transform_6(%arg0: i32) -> (i32, i32) {
    %c0_i32 = arith.constant 0 : i32
    %c0_i32_0 = arith.constant 0 : i32
    return %arg0, %c0_i32 : i32, i32
  }
}

</mosaic_0001>

<sc_bundles>
// kernel: kernel.5.cloned.1.call-start
scs
__scs_entry_jumppad:
0x0: {  	(pc) =	sbr.rel $0x88, $3  }
0x1: {  	(tag) =	ssettag $0x0;
	lr =	simm.s32 $0x1  }
0x2: {  	[smem:$0x3F97] =	sst lr;
	_ =	strace $0xD0000000  }
0x3: {  	_ = 	snop  }
0x4: {  	_ = 	snop  }
0x5: {  	_ = 	snop  }
0x6: {  	_ = 	snop  }
0x7: {  	_ = 	snop  }
__scs_overlays_trampoline_lowered:
0x8: {  	[smem:$0x3FA6] =	sst s0  }
0x9: {  	[smem:$0x3FA7] =	sst s1  }
0xa: {  	[smem:$0x3FA8] =	sst s2  }
0xb: {  	[smem:$0x3FA9] =	sst s3  }
0xc: {  	[smem:$0x3FAA] =	sst s4  }
0xd: {  	[smem:$0x3FAB] =	sst s5  }
0xe: {  	[smem:$0x3FAC] =	sst s6  }
0xf: {  	[smem:$0x3FAD] =	sst s7  }
0x10: {  	[smem:$0x3FAE] =	sst s8  }
0x11: {  	[smem:$0x3FAF] =	sst s9;
	s0 =	simm.s32 @!p0 $0x0  }
0x12: {  	s1 =	sld [smem:$0x3F95];
	s0 =	simm.s32 @p0 $0x1  }
0x13: {  	[smem:$0x3FB0] =	sst s0;
	s0 =	simm.s32 @!p1 $0x0  }
0x14: {  	s2 =	sld [smem:$0x3F94];
	s0 =	simm.s32 @p1 $0x1  }
0x15: {  	[smem:$0x3FB1] =	sst s0;
	s0 =	simm.s32 @!p2 $0x0  }
0x16: {  	s3 =	sld [smem:$0x3FDB];
	s0 =	simm.s32 @p2 $0x1  }
0x17: {  	s4 =	simm.s32 $0x1BF5;
	[smem:$0x3FB3] =	sst s0  }
0x18: {  	s0 =	sld [smem:$0x3F96];
	_ =	swait.ge [sflag:s4], $0x0  }
0x19: {  	s7 =	sld [smem:$0x3F97]  }
0x1a: {  	s8 =	sadd.s32 $0xFFFFE003, lr  }
0x1b: {  	s9 =	sadd.s32 $0xFFFFFEF7, lr;
	s5 =	simm.s32 $0xFFFFFFFF;
	p2 =	slt.u32 s8, $0xFFFFF086  }
0x1c: {  	p1 =	slt.u32 s9, $0xF7A;
	s5 =	simm.s32 @!p2 $0x0  }
0x1d: {  	s5 =	simm.s32 @p1 $0x1;
	p0 =	seq.s32 s7, s2  }
0x1e: {  	s7 =	smul.u32 @!p0 $0xF7A, s2;
	p2 =	seq.s32 @!p0 s5, $0x0  }
0x1f: {  	s9 =	smul.u32 $0xF7A, s1;
	s8 =	simm.s32 @!p0 $0x1BF5;
	p2 =	por !p2, p0  }
0x20: {  	[sflag:s8] =	ssyncset.s32 @!p0 $0xFFFFF086;
	s6 =	sadd.s32 @!p0 s3, s7;
	s7 =	simm.s32 @!p0 $0x108  }
0x21: {  	s3 =	sadd.s32 s3, s9;
	s6 =	sadd.s32 @!p0 $0x88, s6;
	s7 =	simm.s32 @p2 $0x1082  }
0x22: {  	[simem:s7], [sflag:s8] =	dma.local @!p0 [hbm:s6], $0xF7A  }
0x23: {  	s9 =	sor.u32 $0xD0000000, s2;
	s6 =	simm.s32 $0x108;
	_ =	swait.ge @!p0 [sflag:s8], $0x0  }
0x24: {  	s3 =	sadd.s32 $0x88, s3;
	s6 =	simm.s32 @!p1 $0x1082;
	[sflag:s4] =	ssyncset.s32 $0xFFFFF086  }
0x25: {  	[simem:s6], [sflag:s4] =	dma.local [hbm:s3], $0xF7A  }
0x26: {  	[smem:$0x3F97] =	sst s1;
	(tag) =	ssettag s2;
	_ =	strace s9  }
0x27: {  	s1 =	sld [smem:$0x3FA7]  }
0x28: {  	s2 =	sld [smem:$0x3FA8]  }
0x29: {  	s4 =	sld [smem:$0x3FAA]  }
0x2a: {  	p0 =	seq.s32 s5, $0x0;
	s5 =	sld [smem:$0x3FAB]  }
0x2b: {  	s6 =	sld [smem:$0x3FAC]  }
0x2c: {  	s7 =	sld [smem:$0x3FAD]  }
0x2d: {  	s3 =	simm.s32 $0x108;
	s8 =	sld [smem:$0x3FAE]  }
0x2e: {  	s3 =	simm.s32 @!p0 $0x1082;
	s9 =	sld [smem:$0x3FAF]  }
0x2f: {  	lr =	sadd.s32 s0, s3;
	s0 =	sld [smem:$0x3FA6]  }
0x30: {  	s3 =	sld [smem:$0x3FA9]  }
0x31: {  	[smem:$0x3FB2] =	sst s10  }
0x32: {  	s10 =	sld [smem:$0x3FB0];
	_ =	sdelay $0x3  }
0x33: {  	p0 =	seq.s32 s10, $0x1;
	s10 =	sld [smem:$0x3FB2];
	_ =	sdelay $0x3  }
0x34: {  	[smem:$0x3FB2] =	sst s10  }
0x35: {  	s10 =	sld [smem:$0x3FB1];
	_ =	sdelay $0x3  }
0x36: {  	p1 =	seq.s32 s10, $0x1;
	s10 =	sld [smem:$0x3FB2];
	_ =	sdelay $0x3  }
0x37: {  	[smem:$0x3FB2] =	sst s10  }
0x38: {  	s10 =	sld [smem:$0x3FB3]  }
0x39: {  	_ = 	snop;
	(pc) =	sbr.ind lr, $3  }
0x3a: {  	_ = 	snop  }
0x3b: {  	_ = 	snop  }
0x3c: {  	p2 =	seq.s32 s10, $0x1;
	s10 =	sld [smem:$0x3FB2]  }
0x3d: {  	_ =	shalt  }
0x3e: {  	_ =	shalt  }
0x3f: {  	_ =	shalt  }
0x40: {  	_ =	shalt  }
0x41: {  	_ =	shalt  }
0x42: {  	_ =	shalt  }
0x43: {  	_ =	shalt  }
0x44: {  	_ =	shalt  }
0x45: {  	_ =	shalt  }
0x46: {  	_ =	shalt  }
0x47: {  	_ =	shalt  }
0x48: {  	_ =	shalt  }
0x49: {  	_ =	shalt  }
0x4a: {  	_ =	shalt  }
0x4b: {  	_ =	shalt  }
0x4c: {  	_ =	shalt  }
0x4d: {  	_ =	shalt  }
0x4e: {  	_ =	shalt  }
0x4f: {  	_ =	shalt  }
0x50: {  	_ =	shalt  }
0x51: {  	_ =	shalt  }
0x52: {  	_ =	shalt  }
0x53: {  	_ =	shalt  }
0x54: {  	_ =	shalt  }
0x55: {  	_ =	shalt  }
0x56: {  	_ =	shalt  }
0x57: {  	_ =	shalt  }
0x58: {  	_ =	shalt  }
0x59: {  	_ =	shalt  }
0x5a: {  	_ =	shalt  }
0x5b: {  	_ =	shalt  }
0x5c: {  	_ =	shalt  }
0x5d: {  	_ =	shalt  }
0x5e: {  	_ =	shalt  }
0x5f: {  	_ =	shalt  }
0x60: {  	_ =	shalt  }
0x61: {  	_ =	shalt  }
0x62: {  	_ =	shalt  }
0x63: {  	_ =	shalt  }
0x64: {  	_ =	shalt  }
0x65: {  	_ =	shalt  }
0x66: {  	_ =	shalt  }
0x67: {  	_ =	shalt  }
0x68: {  	_ =	shalt  }
0x69: {  	_ =	shalt  }
0x6a: {  	_ =	shalt  }
0x6b: {  	_ =	shalt  }
0x6c: {  	_ =	shalt  }
0x6d: {  	_ =	shalt  }
0x6e: {  	_ =	shalt  }
0x6f: {  	_ =	shalt  }
0x70: {  	_ =	shalt  }
0x71: {  	_ =	shalt  }
0x72: {  	_ =	shalt  }
0x73: {  	_ =	shalt  }
0x74: {  	_ =	shalt  }
0x75: {  	_ =	shalt  }
0x76: {  	_ =	shalt  }
0x77: {  	_ =	shalt  }
0x78: {  	_ =	shalt  }
0x79: {  	_ =	shalt  }
0x7a: {  	_ =	shalt  }
0x7b: {  	_ =	shalt  }
0x7c: {  	_ =	shalt  }
0x7d: {  	_ =	shalt  }
0x7e: {  	_ =	shalt  }
0x7f: {  	_ =	shalt  }
0x80: {  	_ =	shalt  }
0x81: {  	_ =	shalt  }
0x82: {  	_ =	shalt  }
0x83: {  	_ =	shalt  }
0x84: {  	_ =	shalt  }
0x85: {  	_ =	shalt  }
0x86: {  	_ =	shalt  }
0x87: {  	_ =	shalt  }
.Lfunc_end0:
.L_simem_size_0:
called_computation_lowered:
.L_overlay_start_0:
0x88: {  	s2 =	sld [smem:$0x3FD9]  }
0x89: {  	s3 =	sld [smem:$0x3FFE];
	_ =	sdelay $0x1  }
0x8a: {  	s1 =	srdreg.scid  }
0x8b: {  	s0 =	sand.u32 $0x1, s1  }
0x8c: {  	s17 =	sshll.u32 s0, $0xA;
	s2 =	sadd.s32 s3, s2  }
0x8d: {  	s2 =	sadd.s32 s2, s17  }
0x8e: {  	[smem:$0x3FBE] =	sst s2  }
0x8f: {  	_ = 	snop  }
0x90: {  	s2 =	sld [smem:$0x3FD0];
	(tm) =	ssettm $0x1  }
0x91: {  	s18 =	sld [smem:$0x3FFB];
	_ =	sdelay $0x3  }
0x92: {  	_ =	strace s18  }
0x93: {  	s3 =	sld [smem:$0x3FFC];
	_ =	sdelay $0x3  }
0x94: {  	_ =	strace s3  }
0x95: {  	s3 =	sld [smem:$0x3FFD];
	_ =	sdelay $0x3  }
0x96: {  	_ =	strace s3  }
0x97: {  	_ =	strace $0x8FFFFFFF  }
0x98: {  	s19 =	sld [smem:$0x3FDB];
	_ =	sdelay $0x1  }
0x99: {  	s4 =	simm.s32 $_scs_section_size  }
0x9a: {  	s5 =	simm.s32 $_size__tile_overlayer_lowered;
	s6 =	simm.s32 $_tile_overlayer_lowered  }
0x9b: {  	s22 =	simm.s32 $0x1BFF;
	s21 =	sshll.u32 s6, $0x1;
	s3 =	sadd.s32 s4, s19  }
0x9c: {  	s7 =	simm.s32 $0x0;
	s20 =	sshll.u32 s5, $0x1;
	s5 =	sadd.s32 s21, s3  }
0x9d: {  	[timem:s7], [sflag:s22] =	dma.local [hbm:s5], s20  }
0x9e: {  	_ =	swait.ge [sflag:s22], s20  }
0x9f: {  	s4 =	ssub.s32 $0x0, s20;
	[sflag:s22] =	ssyncset.done $0x0  }
0xa0: {  	[sflag:s22] =	ssyncadd.s32 s4;
	_ =	sdelay $0x1  }
0xa1: {  	s23 =	simm.s32 $0x1B8B  }
0xa2: {  	_ =	swait.ge [sflag:s23], $0x1  }
0xa3: {  	[sflag:s23] =	ssyncset.done $0x0  }
0xa4: {  	s25 =	simm.s32 $0x1B8E;
	s24 =	sld [smem:$0x3FFE];
	[sflag:s23] =	ssyncadd.s32 $0xFFFFFFFF  }
0xa5: {  	s26 =	simm.s32 $execute0_lowered;
	[smem:$0x3FD2] =	sst s25  }
0xa6: {  	s5 =	sshll.u32 s26, $0x1;
	_ =	strace $0x80000046;
	[dreg:$0x1] =	wrdreg $0xFFFFFFFF  }
0xa7: {  	s28 =	simm.s32 $_size_execute0_lowered;
	s3 =	sadd.s32 s3, s5;
	[dreg:$0x0] =	wrdreg $0x0  }
0xa8: {  	s5 =	sshll.u32 s28, $0x1;
	[dreg:$0x2] =	wrdreg s3  }
0xa9: {  	[dreg:$0x3] =	wrdreg s5  }
0xaa: {  	[dreg:$0x4] =	wrdreg $0xC0  }
0xab: {  	_ =	task [dreg:s7], $0x5FFFF  }
0xac: {  	[dreg:$0x1] =	wrdreg $0xFFFFFFFF  }
0xad: {  	[dreg:$0x0] =	wrdreg $0x60  }
0xae: {  	[dreg:$0x2] =	wrdreg s24  }
0xaf: {  	[dreg:$0x3] =	wrdreg s2  }
0xb0: {  	[dreg:$0x4] =	wrdreg $0x90800  }
0xb1: {  	[dreg:$0x5] =	wrdreg $0x1D0800  }
0xb2: {  	[dreg:$0x6] =	wrdreg $0x9  }
0xb3: {  	_ =	task.clear_ibuf [dreg:s7], $0x7FFFF;
	_ =	strace $0x90000046  }
0xb4: {  	s29 =	simm.s32 $0x9;
	_ =	strace $0x80000048  }
0xb5: {  	_ =	swait.ge [sflag:s29], $0x1  }
0xb6: {  	[sflag:s29] =	ssyncadd.s32 $0xFFFFFFFF  }
0xb7: {  	_ =	strace $0x90000048  }
0xb8: {  	_ =	sfence  }
0xb9: {  	s30 =	sld [smem:$0x0];
	_ =	sdelay $0x2  }
0xba: {  	s31 =	sshll.u32 s1, $0xD;
	s1 =	sshrl.u32 s1, $0x2  }
0xbb: {  	s3 =	sand.u32 $0x4000, s31;
	s1 =	sadd.s32 s1, s30  }
0xbc: {  	s0 =	sor.u32 s3, s0;
	s1 =	sshll.u32 s1, $0x11  }
0xbd: {  	s0 =	sor.u32 s1, s0  }
0xbe: {  	s0 =	sadd.s32 $0x8F2B, s0  }
0xbf: {  	[sflag:s0] =	ssyncadd.remote.s32 $0x1  }
0xc0: {  	_ =	sfence.sel $0xFFFF  }
0xc1: {  	[dreg:$0x0] =	wrdreg $0xFFFFFFFF;
	(pc) =	sbr.abs _section_cstart, $3  }
0xc2: {  	[dreg:$0x1] =	wrdreg $0xFFFFFFFF  }
0xc3: {  	_ =	task.clear_ibuf [dreg:s7], $0x2FFFF;
	_ =	strace $0x9FFFFFFF  }
0xc4: {  	(tm) =	ssettm $0x7FFFFFFF  }
0xc5: {  	_ =	shalt  }
tec
execute0_lowered:
.L_overlay_start_1:
0x0: {  	(tag) =	ssettag $0x1  }
0x1: {  	s0 =	rddreg [dreg:$0x0]  }
0x2: {  	s16 =	rddreg [dreg:$0x1]  }
0x3: {  	s2 =	rddreg [dreg:$0x2];
	s1 =	stileid.u32  }
0x4: {  	s3 =	rddreg [dreg:$0x3];
	s8 =	smul.u32 $0x14000, s1  }
0x5: {  	s4 =	srdreg.scid;
	s20 =	smul.u32 $0x500, s1  }
0x6: {  	s28 =	simm.s32 $0x2;
	s29 =	simm.s32 $0x20;
	s11 =	smul.u32 $0x280, s1  }
0x7: {  	s30 =	simm.s32 $0x10;
	s6 =	sand.u32 $0x1, s4;
	s22 =	smul.u32 $0x50000, s1  }
0x8: {  	s4 =	simm.s32 $0x0;
	s5 =	sshll.u32 s1, $0x1;
	s7 =	smul.u32 $0x140000, s6  }
0x9: {  	[smem:$0x7FF] =	sst s4;
	s5 =	sor.u32 s6, s5;
	s9 =	sshll.u32 s6, $0x7  }
0xa: {  	s6 =	ssub.s32 $0x2, s6;
	_ =	strace $0x80000047;
	s17 =	smul.u32 $0x500, s5  }
0xb: {  	s5 =	sadd.s32 $0xBC00, s0;
	s21 =	sor.u32 s9, s20;
	s23 =	sshrl.u32 s6, $0x1  }
0xc: {  	s12 =	sadd.s32 $0x80, s11;
	s24 =	sshrl.u32 s22, $0x2;
	s13 =	sadd.s32 $0x100, s11  }
0xd: {  	s14 =	sadd.s32 $0x180, s11;
	s15 =	sadd.s32 $0x200, s11;
	s11 =	sadd.s32 s11, s3  }
0xe: {  	s22 =	simm.s32 $0x3;
	s7 =	sadd.s32 s8, s7;
	s20 =	ssub.s32 s6, s23  }
0xf: {  	s25 =	sshll.u32 s12, $0x7;
	s6 =	sadd.s32 s24, s2;
	s26 =	sshll.u32 s13, $0x7  }
0x10: {  	s31 =	sshll.u32 s14, $0x7;
	s10 =	sshll.u32 s15, $0x7;
	s12 =	sadd.s32 s12, s3  }
0x11: {  	s13 =	sadd.s32 s13, s3;
	s14 =	sadd.s32 s14, s3;
	s15 =	sadd.s32 s15, s3  }
0x12: {  	s24 =	simm.s32 $0x80;
	s18 =	sadd.s32 s17, s0;
	s7 =	sshrl.u32 s7, $0x3  }
0x13: {  	s8 =	sadd.s32 s26, s2;
	s9 =	sadd.s32 s31, s2;
	s10 =	sadd.s32 s10, s2  }
0x14: {  	s16 =	sadd.s32 s16, s17;
	s20 =	smax.u32 s20, $0x1;
	s26 =	simm.s32 $0x9000  }
0x15: {  	s19 =	sadd.s32 s7, s0;
	s7 =	sshrl.u32 s21, $0x3;
	s17 =	sadd.s32 $0x1C00, s18  }
0x16: {  	s21 =	simm.s32 $0x5000;
	s0 =	sadd.s32 s7, s0;
	s7 =	sadd.s32 s25, s2  }
0x17: {  	v0 =	vimm.f32 $0.0e+00;
	v1 =	vimm.f32 $1.000000000e+00;
	s18 =	sadd.s32 $0x34600, s19;
	s25 =	simm.s32 $0x1;
	s19 =	sadd.s32 $0x33C00, s0  }
.LBB2_1:
0x18: {  	s31 =	simm.s32 $0x0;
	s0 =	simm.s32 $0x200  }
.LBB2_2:
0x19: {  	p0 =	sne.s32 s0, $0xFE00;
	[tilespmem:s31+$0x5070] =	vst v0  }
0x1a: {  	[tilespmem:s31+$0x5000] =	vst v0  }
0x1b: {  	[tilespmem:s31+$0x5010] =	vst v0  }
.Ltmp0:
0x1c: {  	[tilespmem:s31+$0x5020] =	vst v0;
	(pc) =	sbr.rel @p0 .LBB2_2-.Ltmp0, $4  }
0x1d: {  	[tilespmem:s31+$0x5030] =	vst v0  }
0x1e: {  	[tilespmem:s31+$0x5040] =	vst v0  }
0x1f: {  	[tilespmem:s31+$0x5050] =	vst v0  }
0x20: {  	[tilespmem:s31+$0x5060] =	vst v0;
	s31 =	sshra.s32 s0, $0x2;
	s0 =	sadd.s32 $0x200, s0  }
0x21: {  	[tilespmem:s31+$0x5070] =	vst v0  }
0x22: {  	[tilespmem:s31+$0x5000] =	vst v0  }
0x23: {  	[tilespmem:s31+$0x5010] =	vst v0  }
0x24: {  	[tilespmem:s31+$0x5020] =	vst v0  }
0x25: {  	[tilespmem:s31+$0x5030] =	vst v0  }
0x26: {  	[tilespmem:s31+$0x5040] =	vst v0  }
0x27: {  	[tilespmem:s31+$0x5050] =	vst v0  }
0x28: {  	[tilespmem:s31+$0x5060] =	vst v0  }
0x29: {  	[tilespmem:$0x9000] =	vst v1  }
0x2a: {  	[tilespmem:$0x9010] =	vst v1  }
0x2b: {  	[tilespmem:$0x9020] =	vst v1  }
0x2c: {  	[tilespmem:$0x9030] =	vst v1  }
0x2d: {  	[tilespmem:$0x9040] =	vst v1  }
0x2e: {  	[tilespmem:$0x9050] =	vst v1  }
0x2f: {  	[tilespmem:$0x9060] =	vst v1  }
0x30: {  	[tilespmem:$0x9070] =	vst v1  }
0x31: {  	[spmem:s6] =	stream.linear.scatter [tilespmem:s21], [sflag:$0x3], $0x4000, $0x38;
	[tilespmem:$0x1D300] =	vst v63  }
0x32: {  	_ =	swait.ge [sflag:s22], $0x4000  }
0x33: {  	[sflag:s22] =	ssyncset.done $0x0  }
0x34: {  	[sflag:s22] =	ssyncadd.s32 $0xFFFFC000  }
0x35: {  	[spmem:s7] =	stream.linear.scatter [tilespmem:s21], [sflag:$0x3], $0x4000, $0x38;
	[tilespmem:$0x1D300] =	vst v63  }
0x36: {  	_ =	swait.ge [sflag:s22], $0x4000  }
0x37: {  	[sflag:s22] =	ssyncset.done $0x0  }
0x38: {  	[sflag:s22] =	ssyncadd.s32 $0xFFFFC000  }
0x39: {  	[spmem:s8] =	stream.linear.scatter [tilespmem:s21], [sflag:$0x3], $0x4000, $0x38;
	[tilespmem:$0x1D300] =	vst v63  }
0x3a: {  	_ =	swait.ge [sflag:s22], $0x4000  }
0x3b: {  	[sflag:s22] =	ssyncset.done $0x0  }
0x3c: {  	[sflag:s22] =	ssyncadd.s32 $0xFFFFC000  }
0x3d: {  	[spmem:s9] =	stream.linear.scatter [tilespmem:s21], [sflag:$0x3], $0x4000, $0x38;
	[tilespmem:$0x1D300] =	vst v63  }
0x3e: {  	_ =	swait.ge [sflag:s22], $0x4000  }
0x3f: {  	[sflag:s22] =	ssyncset.done $0x0  }
0x40: {  	[sflag:s22] =	ssyncadd.s32 $0xFFFFC000  }
0x41: {  	[spmem:s10] =	stream.linear.scatter [tilespmem:s21], [sflag:$0x3], $0x4000, $0x38;
	[tilespmem:$0x1D300] =	vst v63  }
0x42: {  	_ =	swait.ge [sflag:s22], $0x4000  }
0x43: {  	[sflag:s22] =	ssyncset.done $0x0  }
0x44: {  	[sflag:s22] =	ssyncadd.s32 $0xFFFFC000  }
0x45: {  	[spmem:s11] =	stream.linear.scatter [tilespmem:s21], [sflag:$0x3], $0x80, $0x38;
	[tilespmem:$0x1D300] =	vst v63  }
0x46: {  	_ =	swait.ge [sflag:s22], $0x80  }
0x47: {  	[sflag:s22] =	ssyncset.done $0x0  }
0x48: {  	[sflag:s22] =	ssyncadd.s32 $0xFFFFFF80  }
0x49: {  	[spmem:s12] =	stream.linear.scatter [tilespmem:s21], [sflag:$0x3], $0x80, $0x38;
	[tilespmem:$0x1D300] =	vst v63  }
0x4a: {  	_ =	swait.ge [sflag:s22], $0x80  }
0x4b: {  	[sflag:s22] =	ssyncset.done $0x0  }
0x4c: {  	[sflag:s22] =	ssyncadd.s32 $0xFFFFFF80  }
0x4d: {  	[spmem:s13] =	stream.linear.scatter [tilespmem:s21], [sflag:$0x3], $0x80, $0x38;
	[tilespmem:$0x1D300] =	vst v63  }
0x4e: {  	_ =	swait.ge [sflag:s22], $0x80  }
0x4f: {  	[sflag:s22] =	ssyncset.done $0x0  }
0x50: {  	[sflag:s22] =	ssyncadd.s32 $0xFFFFFF80  }
0x51: {  	[spmem:s14] =	stream.linear.scatter [tilespmem:s21], [sflag:$0x3], $0x80, $0x38;
	[tilespmem:$0x1D300] =	vst v63  }
0x52: {  	_ =	swait.ge [sflag:s22], $0x80  }
0x53: {  	[sflag:s22] =	ssyncset.done $0x0  }
0x54: {  	[sflag:s22] =	ssyncadd.s32 $0xFFFFFF80  }
0x55: {  	[spmem:s15] =	stream.linear.scatter [tilespmem:s21], [sflag:$0x3], $0x80, $0x38;
	[tilespmem:$0x1D300] =	vst v63  }
0x56: {  	_ =	swait.ge [sflag:s22], $0x80  }
0x57: {  	[sflag:s22] =	ssyncset.done $0x0  }
0x58: {  	[sflag:s22] =	ssyncadd.s32 $0xFFFFFF80  }
0x59: {  	s0 =	simm.s32 $0x0;
	[bflag:$0x0] =	sbarrier.arrive $0xFFFF  }
0x5a: {  	[tilespmem:s0], [sflag:$0x3] =	stream.linear.gather [hbm4b:s16+s0], $0x2780, $0x38;
	[tilespmem:$0x1D300] =	vst v63  }
0x5b: {  	_ =	swait.ge [sflag:s22], $0x2780  }
0x5c: {  	[sflag:s22] =	ssyncset.done $0x0  }
0x5d: {  	s1 =	simm.s32 $0x2800;
	[sflag:s22] =	ssyncadd.s32 $0xFFFFD880  }
0x5e: {  	[tilespmem:s1], [sflag:$0x3] =	stream.linear.gather [hbm4b:s17+s0], $0x2780, $0x38;
	[tilespmem:$0x1D300] =	vst v63  }
0x5f: {  	_ =	swait.ge [sflag:s22], $0x2780  }
0x60: {  	[sflag:s22] =	ssyncset.done $0x0  }
0x61: {  	s1 =	simm.s32 $0x2800;
	[sflag:s22] =	ssyncadd.s32 $0xFFFFD880  }
0x62: {  	[tilespmem:s21], [sflag:$0x1] =	stream.indirect.gather [hbm4b:s5+s24], $0x80, s1, s24, $0xb8;
	[tilespmem:$0x1D300] =	vst v63  }
0x63: {  	_ =	swait.ge [sflag:s25], $0x4000  }
0x64: {  	[sflag:s25] =	ssyncset.done $0x0  }
0x65: {  	s23 =	simm.s32 $0x0;
	[sflag:s25] =	ssyncadd.s32 $0xFFFFC000  }
0x66: {  	[spmem:s3] =	stream.indirect.scatter.add.f32 [tilespmem:s26], [sflag:$0x2], $0x1, s23, s24, $0xb8;
	[tilespmem:$0x1D300] =	vst v63  }
0x67: {  	_ = 	snop  }
0x68: {  	[spmem:s2] =	stream.indirect.scatter.add.f32 [tilespmem:s21], [sflag:$0x3], $0x80, s23, s24, $0xb8;
	[tilespmem:$0x1D300] =	vst v63  }
0x69: {  	_ =	swait.ge [sflag:s22], $0x4000  }
0x6a: {  	s31 =	simm.s32 $0x200;
	s0 =	simm.s32 $0x400;
	[sflag:s22] =	ssyncset.done $0x0  }
.LBB2_4:
0x6b: {  	s1 =	sshra.s32 s31, $0x2  }
0x6c: {  	[sflag:s22] =	ssyncadd.s32 $0xFFFFC000;
	s31 =	smov.u32 s0;
	s23 =	sadd.s32 $0x200, s0  }
0x6d: {  	p0 =	sne.s32 s0, $0x9C00;
	s0 =	sadd.s32 $0x2800, s1  }
0x6e: {  	[tilespmem:s21], [sflag:$0x1] =	stream.indirect.gather [hbm4b:s5+s24], $0x80, s0, s24, $0xb8;
	[tilespmem:$0x1D300] =	vst v63  }
0x6f: {  	_ =	swait.ge [sflag:s25], $0x4000  }
0x70: {  	[sflag:s25] =	ssyncset.done $0x0  }
0x71: {  	[sflag:s25] =	ssyncadd.s32 $0xFFFFC000  }
0x72: {  	[spmem:s3] =	stream.indirect.scatter.add.f32 [tilespmem:s26], [sflag:$0x2], $0x1, s1, s24, $0xb8;
	[tilespmem:$0x1D300] =	vst v63  }
.Ltmp1:
0x73: {  	_ = 	snop;
	(pc) =	sbr.rel @p0 .LBB2_4-.Ltmp1, $4  }
0x74: {  	_ = 	snop  }
0x75: {  	[spmem:s2] =	stream.indirect.scatter.add.f32 [tilespmem:s21], [sflag:$0x3], $0x80, s1, s24, $0xb8;
	[tilespmem:$0x1D300] =	vst v63  }
0x76: {  	_ =	swait.ge [sflag:s22], $0x4000  }
0x77: {  	s0 =	smov.u32 s23;
	[sflag:s22] =	ssyncset.done $0x0  }
0x78: {  	s0 =	sshra.s32 s31, $0x2  }
0x79: {  	[sflag:s22] =	ssyncadd.s32 $0xFFFFC000;
	s1 =	sadd.s32 $0x2800, s0  }
0x7a: {  	[tilespmem:s21], [sflag:$0x1] =	stream.indirect.gather [hbm4b:s5+s24], $0x80, s1, s24, $0xb8;
	[tilespmem:$0x1D300] =	vst v63  }
0x7b: {  	_ =	swait.ge [sflag:s25], $0x4000  }
0x7c: {  	[sflag:s25] =	ssyncset.done $0x0  }
0x7d: {  	[sflag:s25] =	ssyncadd.s32 $0xFFFFC000  }
0x7e: {  	[spmem:s3] =	stream.indirect.scatter.add.f32 [tilespmem:s26], [sflag:$0x2], $0x1, s0, s24, $0xb8;
	[tilespmem:$0x1D300] =	vst v63  }
0x7f: {  	_ = 	snop  }
0x80: {  	[spmem:s2] =	stream.indirect.scatter.add.f32 [tilespmem:s21], [sflag:$0x3], $0x80, s0, s24, $0xb8;
	[tilespmem:$0x1D300] =	vst v63  }
0x81: {  	_ =	swait.ge [sflag:s22], $0x4000  }
0x82: {  	[sflag:s22] =	ssyncset.done $0x0  }
0x83: {  	[sflag:s22] =	ssyncadd.s32 $0xFFFFC000  }
0x84: {  	_ =	swait.ge [sflag:s28], $0x2780  }
0x85: {  	s1 =	stileid.u32;
	[sflag:s28] =	ssyncset.done $0x0  }
0x86: {  	s0 =	sshll.u32 s1, $0x6;
	[sflag:s28] =	ssyncadd.s32 $0xFFFFD880  }
0x87: {  	s23 =	sshrl.u32 s6, $0x3;
	s0 =	sor.u32 $0x1C03, s0;
	[bflag:$0x0] =	sbarrier.arrive $0xFFFF  }
0x88: {  	[hbm:s18], [sflag:s0] =	dma.local [spmem:s23], $0x2800  }
0x89: {  	s4 =	sadd.s32 $0x1, s4;
	_ =	swait.ge [sflag:s22], $0x2800  }
0x8a: {  	p0 =	sne.s32 s4, s20;
	[sflag:s22] =	ssyncset.done $0x0  }
.Ltmp2:
0x8b: {  	s31 =	sshrl.u32 s11, $0x3;
	[sflag:s22] =	ssyncadd.s32 $0xFFFFD800;
	(pc) =	sbr.rel @p0 .LBB2_1-.Ltmp2, $4  }
0x8c: {  	[hbm:s19@s29], [sflag:s0] =	dma.strided [spmem:s31@s30], $0x50, s25, $0x10   }
0x8d: {  	_ =	swait.ge [sflag:s22], $0x50  }
0x8e: {  	[sflag:s22] =	ssyncset.done $0x0  }
0x8f: {  	[sflag:s22] =	ssyncadd.s32 $0xFFFFFFB0  }
0x90: {  	_ =	sfence.sel $0x180000  }
0x91: {  	[bflag:$0x0] =	sbarrier.arrive $0xFFFF  }
0x92: {  	_ =	strace $0x90000047  }
0x93: {  	s0 =	stileid.u32;
	[bflag:$0x2] =	sbarrier.arrive $0xFFFF  }
0x94: {  	p0 =	sne.s32 s0, $0x0;
	s0 =	rddreg [dreg:$0x4]  }
0x95: {  	s0 =	sadd.s32 @!p0 $0x100000, s0  }
0x96: {  	[sflag:s0] =	ssyncadd.tile.s32 @!p0 $0x1;
	_ =	shalt  }
.Lfunc_end2:
_tile_overlayer_lowered:
.L_overlay_start_2:
0x97: {  	(tag) =	ssettag $0x2  }
0x98: {  	s0 =	rddreg [dreg:$0x0];
	s2 =	stileid.u32  }
0x99: {  	s1 =	rddreg [dreg:$0x1];
	p0 =	sne.s32 s2, $0x0  }
0x9a: {  	s3 =	rddreg [dreg:$0x2];
	[bflag:$0x3] =	sbarrier.arrive $0xFFFF;
	s2 =	simm.s32 @!p0 $0x1C03  }
0x9b: {  	[timem:s3], [sflag:s2] =	dma.local @!p0 [hbm:s0], s1  }
0x9c: {  	s0 =	simm.s32 @!p0 $0x3  }
0x9d: {  	_ =	swait.ge @!p0 [sflag:s0], s1  }
0x9e: {  	s1 =	ssub.s32 @!p0 $0x0, s1;
	[sflag:s0] =	ssyncset.done @!p0 $0x0  }
0x9f: {  	[sflag:s0] =	ssyncadd.s32 @!p0 s1  }
0xa0: {  	[bflag:$0x3] =	sbarrier.arrive $0xFFFF  }
0xa1: {  	_ =	shalt  }

</sc_bundles>
